<compile_context>
chip_gen: v7x
topology: tpu7x:2x2x1
jax: 0.10.2.dev20260603
libtpu: 0.0.44.dev20260713+nightly
codegen_flags: <defaults>
</compile_context>

<pallas_src>
import functools

import jax
import jax.numpy as jnp
from jax import lax
from jax.experimental import pallas as pl
from jax.experimental.pallas import tpu as pltpu
from jax.experimental.pallas import tpu_sc as plsc

N_NODES = 10000
N_EDGES = 320000
NW = 32
CHUNK = 128
CHUNKS_PER_W = 80
EDGES_PER_W = CHUNKS_PER_W * CHUNK
E_PAD = NW * EDGES_PER_W
NPAD = 10112
ROWS_PER_TILE = NPAD // 16


def _seg_sum_sc(d, with_deg):
    mesh = plsc.VectorSubcoreMesh(core_axis_name="c", subcore_axis_name="s")
    out_type = [jax.ShapeDtypeStruct((2, NPAD, d), jnp.float32)]
    if with_deg:
        out_type.append(jax.ShapeDtypeStruct((NPAD,), jnp.float32))
        out_type.append(jax.ShapeDtypeStruct((NPAD,), jnp.float32))
    scratch = [
        pltpu.VMEM((CHUNKS_PER_W + 2, CHUNK), jnp.int32),
        pltpu.VMEM((CHUNKS_PER_W, CHUNK), jnp.int32),
        pltpu.VMEM((2, CHUNK, d), jnp.float32),
        pltpu.VMEM((ROWS_PER_TILE, d), jnp.float32),
        pltpu.VMEM_SHARED((NPAD, d), jnp.float32),
        pltpu.SemaphoreType.DMA,
        pltpu.SemaphoreType.DMA,
    ]
    if with_deg:
        scratch += [
            pltpu.VMEM((CHUNK,), jnp.float32),
            pltpu.VMEM((ROWS_PER_TILE,), jnp.float32),
            pltpu.VMEM((NPAD,), jnp.float32),
            pltpu.VMEM_SHARED((NPAD,), jnp.float32),
        ]

    def body(y_hbm, src_hbm, dst_hbm, zrow_hbm, *rest):
        if with_deg:
            (zdeg_hbm, acc_out, deg_out0, deg_out1,
             src_all, dst_all, rows_v, stage_v, acc_sh, sem0, sem1,
             ones_v, zdeg_v, deg_rd_v, deg_sh) = rest
        else:
            (acc_out, src_all, dst_all, rows_v, stage_v, acc_sh,
             sem0, sem1) = rest
        sems = (sem0, sem1)
        cid = lax.axis_index("c")
        sid = lax.axis_index("s")
        wid = sid * 2 + cid
        r0 = pl.multiple_of(sid * ROWS_PER_TILE, 8)
        pltpu.sync_copy(src_hbm.at[wid], src_all)
        pltpu.sync_copy(dst_hbm.at[wid], dst_all)
        pltpu.sync_copy(zrow_hbm.at[pl.ds(r0, ROWS_PER_TILE)], stage_v)
        pltpu.sync_copy(stage_v, acc_sh.at[pl.ds(r0, ROWS_PER_TILE)])
        if with_deg:
            pltpu.sync_copy(zdeg_hbm.at[pl.ds(r0, ROWS_PER_TILE)], zdeg_v)
            pltpu.sync_copy(zdeg_v, deg_sh.at[pl.ds(r0, ROWS_PER_TILE)])
            for k in range(CHUNK // 16):
                ones_v[pl.ds(k * 16, 16)] = jnp.ones((16,), jnp.float32)
        plsc.subcore_barrier()

        def step(i, carry):
            pltpu.async_copy(y_hbm.at[src_all.at[i]], rows_v.at[0],
                             sem0).wait()
            pltpu.sync_copy(rows_v.at[0], acc_sh.at[dst_all.at[i]], add=True)
            if with_deg:
                pltpu.sync_copy(ones_v, deg_sh.at[dst_all.at[i]], add=True)
            return carry

        lax.fori_loop(0, CHUNKS_PER_W, step, 0)
        plsc.subcore_barrier()
        pltpu.sync_copy(acc_sh.at[pl.ds(r0, ROWS_PER_TILE)], stage_v)
        pltpu.sync_copy(stage_v, acc_out.at[cid, pl.ds(r0, ROWS_PER_TILE)])
        if with_deg:
            @pl.when(sid == 0)
            def _():
                pltpu.sync_copy(deg_sh, deg_rd_v)

            @pl.when(jnp.logical_and(sid == 0, cid == 0))
            def _():
                pltpu.sync_copy(deg_rd_v, deg_out0)

            @pl.when(jnp.logical_and(sid == 0, cid == 1))
            def _():
                pltpu.sync_copy(deg_rd_v, deg_out1)

    return pl.kernel(body, out_type=out_type, mesh=mesh, scratch_types=scratch,
                     compiler_params=pltpu.CompilerParams(
                         use_tc_tiling_on_sc=False),
                     name=f"seg_sum_sc_d{d}")


def _tc_proj(x_ref, w_ref, y_ref, xr_ref):
    h = jnp.dot(x_ref[...], w_ref[...], preferred_element_type=jnp.float32)
    d = y_ref.shape[1]
    y_ref[...] = h[:, :d]
    xr_ref[...] = h[:, d:]


def _tc_mid(acc_ref, degp_ref, xr_ref, b_ref, w_ref, y1_ref, xr1_ref):
    inv = 1.0 / jnp.maximum(degp_ref[0] + degp_ref[1], 1.0)
    agg = (acc_ref[0] + acc_ref[1]) * inv
    h = jnp.maximum(agg + b_ref[...] + xr_ref[...], 0.0)
    hw = jnp.dot(h, w_ref[...], preferred_element_type=jnp.float32)
    d = y1_ref.shape[1]
    y1_ref[...] = hw[:, :d]
    xr1_ref[...] = hw[:, d:]


def _tc_head(acc_ref, degp_ref, xr_ref, b_ref, wfc_ref, bfc_ref,
             emb_ref, out_ref):
    inv = 1.0 / jnp.maximum(degp_ref[0] + degp_ref[1], 1.0)
    agg = (acc_ref[0] + acc_ref[1]) * inv
    h = jnp.maximum(agg + b_ref[...] + xr_ref[...], 0.0)
    emb_ref[...] = h
    out_ref[...] = jnp.dot(h, wfc_ref[...],
                           preferred_element_type=jnp.float32) + bfc_ref[...]


def kernel(x, edge_index, W_l0, b_l0, W_r0, W_l1, b_l1, W_r1, W_fc, b_fc):
    n = N_NODES
    src = edge_index[0]
    dst = edge_index[1]
    pad = E_PAD - N_EDGES
    srcp = jnp.concatenate([src, jnp.zeros((pad,), jnp.int32)])
    srcp = srcp.reshape(NW, CHUNKS_PER_W, CHUNK)
    srcp = jnp.concatenate(
        [srcp, jnp.zeros((NW, 2, CHUNK), jnp.int32)], axis=1)
    junk = n + (jnp.arange(pad, dtype=jnp.int32) % (NPAD - n))
    dstp = jnp.concatenate([dst, junk]).reshape(NW, CHUNKS_PER_W, CHUNK)
    zrow64 = jnp.zeros((NPAD, 64), jnp.float32)
    zrow32 = jnp.zeros((NPAD, 32), jnp.float32)
    zdeg = jnp.zeros((NPAD,), jnp.float32)

    w0 = jnp.concatenate([W_l0, W_r0], axis=1)
    y0, xr0 = pl.pallas_call(
        _tc_proj,
        out_shape=[jax.ShapeDtypeStruct((n, 64), jnp.float32),
                   jax.ShapeDtypeStruct((n, 64), jnp.float32)],
    )(x, w0)

    accp0, deg0, deg1 = _seg_sum_sc(64, True)(y0, srcp, dstp, zrow64, zdeg)
    degp2 = jnp.stack([deg0, deg1])[:, :n, None]

    w1 = jnp.concatenate([W_l1, W_r1], axis=1)
    y1, xr1 = pl.pallas_call(
        _tc_mid,
        out_shape=[jax.ShapeDtypeStruct((n, 32), jnp.float32),
                   jax.ShapeDtypeStruct((n, 32), jnp.float32)],
    )(accp0[:, :n, :], degp2, xr0, b_l0.reshape(1, 64), w1)

    accp1, = _seg_sum_sc(32, False)(y1, srcp, dstp, zrow32)

    embedding, out = pl.pallas_call(
        _tc_head,
        out_shape=[jax.ShapeDtypeStruct((n, 32), jnp.float32),
                   jax.ShapeDtypeStruct((n, 64), jnp.float32)],
    )(accp1[:, :n, :], degp2, xr1, b_l1.reshape(1, 32), W_fc,
      b_fc.reshape(1, 64))
    return (embedding, out)

# --- scband reference (transcript-rebuilt; emitter-appended) ---
"""Pipeline reference for scband-sage-extract-84413287236240 (READ-ONLY COPY).

The authoritative reference and input builder live on the scoring server;
editing this copy changes nothing except your own understanding.
"""

import jax, jax.numpy as jnp
import numpy as np

N_NODES = 10000
N_EDGES = 320000
D_IN = 128
H0 = 64
H1 = 32
D_OUT = 64


def setup_inputs(seed: int = 0) -> dict:
    key = jax.random.key(seed)
    ks = jax.random.split(key, 12)
    x = jax.random.normal(ks[0], (N_NODES, D_IN), dtype=jnp.float32)
    edge_index = jax.random.randint(ks[1], (2, N_EDGES), 0, N_NODES, dtype=jnp.int64 if jax.config.jax_enable_x64 else jnp.int32).astype(jnp.int32)
    def glorot(k, shape):
        fan_in, fan_out = shape[0], shape[1]
        lim = jnp.sqrt(6.0 / (fan_in + fan_out))
        return jax.random.uniform(k, shape, dtype=jnp.float32, minval=-lim, maxval=lim)
    W_l0 = glorot(ks[2], (D_IN, H0)); b_l0 = jnp.zeros((H0,), dtype=jnp.float32)
    W_r0 = glorot(ks[3], (D_IN, H0))
    W_l1 = glorot(ks[4], (H0, H1)); b_l1 = jnp.zeros((H1,), dtype=jnp.float32)
    W_r1 = glorot(ks[5], (H0, H1))
    W_fc = glorot(ks[6], (H1, D_OUT)); b_fc = jnp.zeros((D_OUT,), dtype=jnp.float32)
    return {"x": x, "edge_index": edge_index, "W_l0": W_l0, "b_l0": b_l0, "W_r0": W_r0,
            "W_l1": W_l1, "b_l1": b_l1, "W_r1": W_r1, "W_fc": W_fc, "b_fc": b_fc}


def _sage_conv(x, src, dst, W_l, b_l, W_r, num_nodes):
    # PyG SAGEConv with mean aggregation: out = lin_l(mean_{j in N(i)} x_j) + lin_r(x_i)
    msg = jnp.take(x, src, axis=0)                          # gather source features [E, d]
    agg = jax.ops.segment_sum(msg, dst, num_segments=num_nodes)  # scatter-add at dst
    deg = jax.ops.segment_sum(jnp.ones((src.shape[0],), dtype=x.dtype), dst, num_segments=num_nodes)
    deg = jnp.clip(deg, 1.0, None)
    agg = agg / deg[:, None]
    return agg @ W_l + b_l + x @ W_r


def reference(x, edge_index, W_l0, b_l0, W_r0, W_l1, b_l1, W_r1, W_fc, b_fc):
    src = edge_index[0]
    dst = edge_index[1]
    n = x.shape[0]
    h = _sage_conv(x, src, dst, W_l0, b_l0, W_r0, n)
    h = jax.nn.relu(h)
    h = _sage_conv(h, src, dst, W_l1, b_l1, W_r1, n)
    h = jax.nn.relu(h)
    embedding = h
    out = h @ W_fc + b_fc
    return (embedding, out)

if __name__ == "__main__":
    import jax
    _d = setup_inputs()
    print(jax.jit(kernel)(*tuple(_d.values())))

</pallas_src>

<mosaic_0001>
#map = affine_map<(d0, d1) -> (0, 0)>
#map1 = affine_map<(d0, d1) -> (0, 0, 0)>
#map2 = affine_map<(d0, d1) -> (0)>
module attributes {stable_mosaic.version = 14 : i64} {
  func.func @seg_sum_sc_d64(%arg0: i32, %arg1: i32, %arg2: memref<10000x64xf32, #tpu.memory_space<hbm>>, %arg3: memref<32x82x128xi32, #tpu.memory_space<hbm>>, %arg4: memref<32x80x128xi32, #tpu.memory_space<hbm>>, %arg5: memref<10112x64xf32, #tpu.memory_space<hbm>>, %arg6: memref<10112xf32, #tpu.memory_space<hbm>>, %arg7: memref<2x10112x64xf32, #tpu.memory_space<hbm>>, %arg8: memref<10112xf32, #tpu.memory_space<hbm>>, %arg9: memref<10112xf32, #tpu.memory_space<hbm>>, %arg10: memref<82x128xi32, #tpu.memory_space<vmem>>, %arg11: memref<80x128xi32, #tpu.memory_space<vmem>>, %arg12: memref<2x128x64xf32, #tpu.memory_space<vmem>>, %arg13: memref<632x64xf32, #tpu.memory_space<vmem>>, %arg14: memref<10112x64xf32, #tpu.memory_space<vmem_shared>>, %arg15: memref<!tpu.dma_semaphore, #tpu.memory_space<semaphore_mem>>, %arg16: memref<!tpu.dma_semaphore, #tpu.memory_space<semaphore_mem>>, %arg17: memref<128xf32, #tpu.memory_space<vmem>>, %arg18: memref<632xf32, #tpu.memory_space<vmem>>, %arg19: memref<10112xf32, #tpu.memory_space<vmem>>, %arg20: memref<10112xf32, #tpu.memory_space<vmem_shared>>) attributes {dimension_semantics = [#tpu.dimension_semantics<core_parallel>, #tpu.dimension_semantics<subcore_parallel>], iteration_bounds = array<i64: 2, 16>, scalar_prefetch = 0 : i64, scratch_operands = 11 : i64, tpu.core_type = #tpu.core_type<sc_vector_subcore>, window_params = [{transform_indices = #map}, {transform_indices = #map1}, {transform_indices = #map1}, {transform_indices = #map}, {transform_indices = #map2}, {transform_indices = #map1}, {transform_indices = #map2}, {transform_indices = #map2}]} {
    %mul3A = arith.constant 2 : i32
    %mul3A_0 = arith.muli %arg1, %mul3A : i32
    %add3A = arith.addi %mul3A_0, %arg0 : i32
    %mul3A_1 = arith.constant 632 : i32
    %mul3A_2 = arith.muli %arg1, %mul3A_1 : i32
    %multiple_of3A = tpu.assume_multiple %mul3A_2, 8 : i32
    "tpu.region"() ({
      %run_scoped3A = tpu.sem_alloc : memref<!tpu.dma_semaphore, #tpu.memory_space<semaphore_mem>>
      %dma_start3A = arith.constant 0 : i32
      %dma_start3A_72 = arith.constant 0 : i32
      %dma_start3A_73 = tpu.memref_slice %arg3[%add3A, %dma_start3A, %dma_start3A_72] : memref<32x82x128xi32, #tpu.memory_space<hbm>> -> memref<1x82x128xi32, #tpu.memory_space<hbm>>
      %dma_start3A_74 = tpu.memref_squeeze %dma_start3A_73 : memref<1x82x128xi32, #tpu.memory_space<hbm>> -> memref<82x128xi32, #tpu.memory_space<hbm>>
      %dma_start3A_75 = arith.constant 0 : i32
      %dma_start3A_76 = arith.constant 0 : i32
      %dma_start3A_77 = tpu.memref_slice %arg3[%add3A, %dma_start3A_75, %dma_start3A_76] : memref<32x82x128xi32, #tpu.memory_space<hbm>> -> memref<1x82x128xi32, #tpu.memory_space<hbm>>
      %dma_start3A_78 = tpu.memref_squeeze %dma_start3A_77 : memref<1x82x128xi32, #tpu.memory_space<hbm>> -> memref<82x128xi32, #tpu.memory_space<hbm>>
      tpu.enqueue_dma source(%dma_start3A_78 : memref<82x128xi32, #tpu.memory_space<hbm>>) target(%arg10 : memref<82x128xi32, #tpu.memory_space<vmem>>) target_semaphore(%run_scoped3A : memref<!tpu.dma_semaphore, #tpu.memory_space<semaphore_mem>>)
      %dma_wait3A = arith.constant 0 : i32
      %dma_wait3A_79 = arith.constant 0 : i32
      %dma_wait3A_80 = tpu.memref_slice %arg3[%add3A, %dma_wait3A, %dma_wait3A_79] : memref<32x82x128xi32, #tpu.memory_space<hbm>> -> memref<1x82x128xi32, #tpu.memory_space<hbm>>
      %dma_wait3A_81 = tpu.memref_squeeze %dma_wait3A_80 : memref<1x82x128xi32, #tpu.memory_space<hbm>> -> memref<82x128xi32, #tpu.memory_space<hbm>>
      %dma_wait3A_82 = arith.constant 0 : i32
      %dma_wait3A_83 = arith.constant 0 : i32
      %dma_wait3A_84 = tpu.memref_slice %arg3[%add3A, %dma_wait3A_82, %dma_wait3A_83] : memref<32x82x128xi32, #tpu.memory_space<hbm>> -> memref<1x82x128xi32, #tpu.memory_space<hbm>>
      %dma_wait3A_85 = tpu.memref_squeeze %dma_wait3A_84 : memref<1x82x128xi32, #tpu.memory_space<hbm>> -> memref<82x128xi32, #tpu.memory_space<hbm>>
      tpu.wait_dma2 semaphore(%run_scoped3A : memref<!tpu.dma_semaphore, #tpu.memory_space<semaphore_mem>>) src(%dma_wait3A_85 : memref<82x128xi32, #tpu.memory_space<hbm>>) dst(%arg10 : memref<82x128xi32, #tpu.memory_space<vmem>>)
      tpu.yield
    }) : () -> ()
    "tpu.region"() ({
      %run_scoped3A = tpu.sem_alloc : memref<!tpu.dma_semaphore, #tpu.memory_space<semaphore_mem>>
      %dma_start3A = arith.constant 0 : i32
      %dma_start3A_72 = arith.constant 0 : i32
      %dma_start3A_73 = tpu.memref_slice %arg4[%add3A, %dma_start3A, %dma_start3A_72] : memref<32x80x128xi32, #tpu.memory_space<hbm>> -> memref<1x80x128xi32, #tpu.memory_space<hbm>>
      %dma_start3A_74 = tpu.memref_squeeze %dma_start3A_73 : memref<1x80x128xi32, #tpu.memory_space<hbm>> -> memref<80x128xi32, #tpu.memory_space<hbm>>
      %dma_start3A_75 = arith.constant 0 : i32
      %dma_start3A_76 = arith.constant 0 : i32
      %dma_start3A_77 = tpu.memref_slice %arg4[%add3A, %dma_start3A_75, %dma_start3A_76] : memref<32x80x128xi32, #tpu.memory_space<hbm>> -> memref<1x80x128xi32, #tpu.memory_space<hbm>>
      %dma_start3A_78 = tpu.memref_squeeze %dma_start3A_77 : memref<1x80x128xi32, #tpu.memory_space<hbm>> -> memref<80x128xi32, #tpu.memory_space<hbm>>
      tpu.enqueue_dma source(%dma_start3A_78 : memref<80x128xi32, #tpu.memory_space<hbm>>) target(%arg11 : memref<80x128xi32, #tpu.memory_space<vmem>>) target_semaphore(%run_scoped3A : memref<!tpu.dma_semaphore, #tpu.memory_space<semaphore_mem>>)
      %dma_wait3A = arith.constant 0 : i32
      %dma_wait3A_79 = arith.constant 0 : i32
      %dma_wait3A_80 = tpu.memref_slice %arg4[%add3A, %dma_wait3A, %dma_wait3A_79] : memref<32x80x128xi32, #tpu.memory_space<hbm>> -> memref<1x80x128xi32, #tpu.memory_space<hbm>>
      %dma_wait3A_81 = tpu.memref_squeeze %dma_wait3A_80 : memref<1x80x128xi32, #tpu.memory_space<hbm>> -> memref<80x128xi32, #tpu.memory_space<hbm>>
      %dma_wait3A_82 = arith.constant 0 : i32
      %dma_wait3A_83 = arith.constant 0 : i32
      %dma_wait3A_84 = tpu.memref_slice %arg4[%add3A, %dma_wait3A_82, %dma_wait3A_83] : memref<32x80x128xi32, #tpu.memory_space<hbm>> -> memref<1x80x128xi32, #tpu.memory_space<hbm>>
      %dma_wait3A_85 = tpu.memref_squeeze %dma_wait3A_84 : memref<1x80x128xi32, #tpu.memory_space<hbm>> -> memref<80x128xi32, #tpu.memory_space<hbm>>
      tpu.wait_dma2 semaphore(%run_scoped3A : memref<!tpu.dma_semaphore, #tpu.memory_space<semaphore_mem>>) src(%dma_wait3A_85 : memref<80x128xi32, #tpu.memory_space<hbm>>) dst(%arg11 : memref<80x128xi32, #tpu.memory_space<vmem>>)
      tpu.yield
    }) : () -> ()
    "tpu.region"() ({
      %run_scoped3A = tpu.sem_alloc : memref<!tpu.dma_semaphore, #tpu.memory_space<semaphore_mem>>
      %dma_start3A = arith.constant 0 : i32
      %dma_start3A_72 = tpu.memref_slice %arg5[%multiple_of3A, %dma_start3A] : memref<10112x64xf32, #tpu.memory_space<hbm>> -> memref<632x64xf32, #tpu.memory_space<hbm>>
      %dma_start3A_73 = arith.constant 0 : i32
      %dma_start3A_74 = tpu.memref_slice %arg5[%multiple_of3A, %dma_start3A_73] : memref<10112x64xf32, #tpu.memory_space<hbm>> -> memref<632x64xf32, #tpu.memory_space<hbm>>
      tpu.enqueue_dma source(%dma_start3A_74 : memref<632x64xf32, #tpu.memory_space<hbm>>) target(%arg13 : memref<632x64xf32, #tpu.memory_space<vmem>>) target_semaphore(%run_scoped3A : memref<!tpu.dma_semaphore, #tpu.memory_space<semaphore_mem>>)
      %dma_wait3A = arith.constant 0 : i32
      %dma_wait3A_75 = tpu.memref_slice %arg5[%multiple_of3A, %dma_wait3A] : memref<10112x64xf32, #tpu.memory_space<hbm>> -> memref<632x64xf32, #tpu.memory_space<hbm>>
      %dma_wait3A_76 = arith.constant 0 : i32
      %dma_wait3A_77 = tpu.memref_slice %arg5[%multiple_of3A, %dma_wait3A_76] : memref<10112x64xf32, #tpu.memory_space<hbm>> -> memref<632x64xf32, #tpu.memory_space<hbm>>
      tpu.wait_dma2 semaphore(%run_scoped3A : memref<!tpu.dma_semaphore, #tpu.memory_space<semaphore_mem>>) src(%dma_wait3A_77 : memref<632x64xf32, #tpu.memory_space<hbm>>) dst(%arg13 : memref<632x64xf32, #tpu.memory_space<vmem>>)
      tpu.yield
    }) : () -> ()
    "tpu.region"() ({
      %run_scoped3A = tpu.sem_alloc : memref<!tpu.dma_semaphore, #tpu.memory_space<semaphore_mem>>
      %dma_start3A = arith.constant 0 : i32
      %dma_start3A_72 = tpu.memref_slice %arg14[%multiple_of3A, %dma_start3A] : memref<10112x64xf32, #tpu.memory_space<vmem_shared>> -> memref<632x64xf32, #tpu.memory_space<vmem_shared>>
      %dma_start3A_73 = arith.constant 0 : i32
      %dma_start3A_74 = tpu.memref_slice %arg14[%multiple_of3A, %dma_start3A_73] : memref<10112x64xf32, #tpu.memory_space<vmem_shared>> -> memref<632x64xf32, #tpu.memory_space<vmem_shared>>
      tpu.enqueue_dma source(%arg13 : memref<632x64xf32, #tpu.memory_space<vmem>>) target(%dma_start3A_74 : memref<632x64xf32, #tpu.memory_space<vmem_shared>>) target_semaphore(%run_scoped3A : memref<!tpu.dma_semaphore, #tpu.memory_space<semaphore_mem>>)
      %dma_wait3A = arith.constant 0 : i32
      %dma_wait3A_75 = tpu.memref_slice %arg14[%multiple_of3A, %dma_wait3A] : memref<10112x64xf32, #tpu.memory_space<vmem_shared>> -> memref<632x64xf32, #tpu.memory_space<vmem_shared>>
      %dma_wait3A_76 = arith.constant 0 : i32
      %dma_wait3A_77 = tpu.memref_slice %arg14[%multiple_of3A, %dma_wait3A_76] : memref<10112x64xf32, #tpu.memory_space<vmem_shared>> -> memref<632x64xf32, #tpu.memory_space<vmem_shared>>
      tpu.wait_dma2 semaphore(%run_scoped3A : memref<!tpu.dma_semaphore, #tpu.memory_space<semaphore_mem>>) src(%arg13 : memref<632x64xf32, #tpu.memory_space<vmem>>) dst(%dma_wait3A_77 : memref<632x64xf32, #tpu.memory_space<vmem_shared>>)
      tpu.yield
    }) : () -> ()
    "tpu.region"() ({
      %run_scoped3A = tpu.sem_alloc : memref<!tpu.dma_semaphore, #tpu.memory_space<semaphore_mem>>
      %dma_start3A = tpu.memref_slice %arg6[%multiple_of3A] : memref<10112xf32, #tpu.memory_space<hbm>> -> memref<632xf32, #tpu.memory_space<hbm>>
      %dma_start3A_72 = tpu.memref_slice %arg6[%multiple_of3A] : memref<10112xf32, #tpu.memory_space<hbm>> -> memref<632xf32, #tpu.memory_space<hbm>>
      tpu.enqueue_dma source(%dma_start3A_72 : memref<632xf32, #tpu.memory_space<hbm>>) target(%arg18 : memref<632xf32, #tpu.memory_space<vmem>>) target_semaphore(%run_scoped3A : memref<!tpu.dma_semaphore, #tpu.memory_space<semaphore_mem>>)
      %dma_wait3A = tpu.memref_slice %arg6[%multiple_of3A] : memref<10112xf32, #tpu.memory_space<hbm>> -> memref<632xf32, #tpu.memory_space<hbm>>
      %dma_wait3A_73 = tpu.memref_slice %arg6[%multiple_of3A] : memref<10112xf32, #tpu.memory_space<hbm>> -> memref<632xf32, #tpu.memory_space<hbm>>
      tpu.wait_dma2 semaphore(%run_scoped3A : memref<!tpu.dma_semaphore, #tpu.memory_space<semaphore_mem>>) src(%dma_wait3A_73 : memref<632xf32, #tpu.memory_space<hbm>>) dst(%arg18 : memref<632xf32, #tpu.memory_space<vmem>>)
      tpu.yield
    }) : () -> ()
    "tpu.region"() ({
      %run_scoped3A = tpu.sem_alloc : memref<!tpu.dma_semaphore, #tpu.memory_space<semaphore_mem>>
      %dma_start3A = tpu.memref_slice %arg20[%multiple_of3A] : memref<10112xf32, #tpu.memory_space<vmem_shared>> -> memref<632xf32, #tpu.memory_space<vmem_shared>>
      %dma_start3A_72 = tpu.memref_slice %arg20[%multiple_of3A] : memref<10112xf32, #tpu.memory_space<vmem_shared>> -> memref<632xf32, #tpu.memory_space<vmem_shared>>
      tpu.enqueue_dma source(%arg18 : memref<632xf32, #tpu.memory_space<vmem>>) target(%dma_start3A_72 : memref<632xf32, #tpu.memory_space<vmem_shared>>) target_semaphore(%run_scoped3A : memref<!tpu.dma_semaphore, #tpu.memory_space<semaphore_mem>>)
      %dma_wait3A = tpu.memref_slice %arg20[%multiple_of3A] : memref<10112xf32, #tpu.memory_space<vmem_shared>> -> memref<632xf32, #tpu.memory_space<vmem_shared>>
      %dma_wait3A_73 = tpu.memref_slice %arg20[%multiple_of3A] : memref<10112xf32, #tpu.memory_space<vmem_shared>> -> memref<632xf32, #tpu.memory_space<vmem_shared>>
      tpu.wait_dma2 semaphore(%run_scoped3A : memref<!tpu.dma_semaphore, #tpu.memory_space<semaphore_mem>>) src(%arg18 : memref<632xf32, #tpu.memory_space<vmem>>) dst(%dma_wait3A_73 : memref<632xf32, #tpu.memory_space<vmem_shared>>)
      tpu.yield
    }) : () -> ()
    %broadcast_in_dim3A = arith.constant 1.000000e+00 : f32
    %broadcast_in_dim3A_3 = vector.broadcast %broadcast_in_dim3A : f32 to vector<16xf32>
    %swap3A = arith.constant 0 : index
    %swap3A_4 = tpu.vector_load %arg17[%swap3A] {strides = array<i32>} : memref<128xf32, #tpu.memory_space<vmem>>, vector<16xf32>,
    %swap3A_5 = vector.shape_cast %swap3A_4 : vector<16xf32> to vector<16xf32>
    %swap3A_6 = vector.shape_cast %broadcast_in_dim3A_3 : vector<16xf32> to vector<16xf32>
    tpu.vector_store %arg17[%swap3A], %swap3A_6 {strides = array<i32>} : memref<128xf32, #tpu.memory_space<vmem>>, vector<16xf32>,
    %broadcast_in_dim3A_7 = arith.constant 1.000000e+00 : f32
    %broadcast_in_dim3A_8 = vector.broadcast %broadcast_in_dim3A_7 : f32 to vector<16xf32>
    %swap3A_9 = arith.constant 16 : index
    %swap3A_10 = tpu.vector_load %arg17[%swap3A_9] {strides = array<i32>} : memref<128xf32, #tpu.memory_space<vmem>>, vector<16xf32>,
    %swap3A_11 = vector.shape_cast %swap3A_10 : vector<16xf32> to vector<16xf32>
    %swap3A_12 = vector.shape_cast %broadcast_in_dim3A_8 : vector<16xf32> to vector<16xf32>
    tpu.vector_store %arg17[%swap3A_9], %swap3A_12 {strides = array<i32>} : memref<128xf32, #tpu.memory_space<vmem>>, vector<16xf32>,
    %broadcast_in_dim3A_13 = arith.constant 1.000000e+00 : f32
    %broadcast_in_dim3A_14 = vector.broadcast %broadcast_in_dim3A_13 : f32 to vector<16xf32>
    %swap3A_15 = arith.constant 32 : index
    %swap3A_16 = tpu.vector_load %arg17[%swap3A_15] {strides = array<i32>} : memref<128xf32, #tpu.memory_space<vmem>>, vector<16xf32>,
    %swap3A_17 = vector.shape_cast %swap3A_16 : vector<16xf32> to vector<16xf32>
    %swap3A_18 = vector.shape_cast %broadcast_in_dim3A_14 : vector<16xf32> to vector<16xf32>
    tpu.vector_store %arg17[%swap3A_15], %swap3A_18 {strides = array<i32>} : memref<128xf32, #tpu.memory_space<vmem>>, vector<16xf32>,
    %broadcast_in_dim3A_19 = arith.constant 1.000000e+00 : f32
    %broadcast_in_dim3A_20 = vector.broadcast %broadcast_in_dim3A_19 : f32 to vector<16xf32>
    %swap3A_21 = arith.constant 48 : index
    %swap3A_22 = tpu.vector_load %arg17[%swap3A_21] {strides = array<i32>} : memref<128xf32, #tpu.memory_space<vmem>>, vector<16xf32>,
    %swap3A_23 = vector.shape_cast %swap3A_22 : vector<16xf32> to vector<16xf32>
    %swap3A_24 = vector.shape_cast %broadcast_in_dim3A_20 : vector<16xf32> to vector<16xf32>
    tpu.vector_store %arg17[%swap3A_21], %swap3A_24 {strides = array<i32>} : memref<128xf32, #tpu.memory_space<vmem>>, vector<16xf32>,
    %broadcast_in_dim3A_25 = arith.constant 1.000000e+00 : f32
    %broadcast_in_dim3A_26 = vector.broadcast %broadcast_in_dim3A_25 : f32 to vector<16xf32>
    %swap3A_27 = arith.constant 64 : index
    %swap3A_28 = tpu.vector_load %arg17[%swap3A_27] {strides = array<i32>} : memref<128xf32, #tpu.memory_space<vmem>>, vector<16xf32>,
    %swap3A_29 = vector.shape_cast %swap3A_28 : vector<16xf32> to vector<16xf32>
    %swap3A_30 = vector.shape_cast %broadcast_in_dim3A_26 : vector<16xf32> to vector<16xf32>
    tpu.vector_store %arg17[%swap3A_27], %swap3A_30 {strides = array<i32>} : memref<128xf32, #tpu.memory_space<vmem>>, vector<16xf32>,
    %broadcast_in_dim3A_31 = arith.constant 1.000000e+00 : f32
    %broadcast_in_dim3A_32 = vector.broadcast %broadcast_in_dim3A_31 : f32 to vector<16xf32>
    %swap3A_33 = arith.constant 80 : index
    %swap3A_34 = tpu.vector_load %arg17[%swap3A_33] {strides = array<i32>} : memref<128xf32, #tpu.memory_space<vmem>>, vector<16xf32>,
    %swap3A_35 = vector.shape_cast %swap3A_34 : vector<16xf32> to vector<16xf32>
    %swap3A_36 = vector.shape_cast %broadcast_in_dim3A_32 : vector<16xf32> to vector<16xf32>
    tpu.vector_store %arg17[%swap3A_33], %swap3A_36 {strides = array<i32>} : memref<128xf32, #tpu.memory_space<vmem>>, vector<16xf32>,
    %broadcast_in_dim3A_37 = arith.constant 1.000000e+00 : f32
    %broadcast_in_dim3A_38 = vector.broadcast %broadcast_in_dim3A_37 : f32 to vector<16xf32>
    %swap3A_39 = arith.constant 96 : index
    %swap3A_40 = tpu.vector_load %arg17[%swap3A_39] {strides = array<i32>} : memref<128xf32, #tpu.memory_space<vmem>>, vector<16xf32>,
    %swap3A_41 = vector.shape_cast %swap3A_40 : vector<16xf32> to vector<16xf32>
    %swap3A_42 = vector.shape_cast %broadcast_in_dim3A_38 : vector<16xf32> to vector<16xf32>
    tpu.vector_store %arg17[%swap3A_39], %swap3A_42 {strides = array<i32>} : memref<128xf32, #tpu.memory_space<vmem>>, vector<16xf32>,
    %broadcast_in_dim3A_43 = arith.constant 1.000000e+00 : f32
    %broadcast_in_dim3A_44 = vector.broadcast %broadcast_in_dim3A_43 : f32 to vector<16xf32>
    %swap3A_45 = arith.constant 112 : index
    %swap3A_46 = tpu.vector_load %arg17[%swap3A_45] {strides = array<i32>} : memref<128xf32, #tpu.memory_space<vmem>>, vector<16xf32>,
    %swap3A_47 = vector.shape_cast %swap3A_46 : vector<16xf32> to vector<16xf32>
    %swap3A_48 = vector.shape_cast %broadcast_in_dim3A_44 : vector<16xf32> to vector<16xf32>
    tpu.vector_store %arg17[%swap3A_45], %swap3A_48 {strides = array<i32>} : memref<128xf32, #tpu.memory_space<vmem>>, vector<16xf32>,
    %barrier3A = arith.constant 0 : index
    tpu.barrier barrier_id(%barrier3A)
    %scan3A = arith.constant 0 : i32
    %scan3A_49 = arith.constant 0 : i32
    %scan3A_50 = arith.constant 80 : i32
    %scan3A_51 = arith.addi %scan3A_49, %scan3A_50 : i32
    %scan3A_52 = arith.constant 1 : i32
    scf.for %scan3A_72 = %scan3A_49 to %scan3A_51 step %scan3A_52  : i32 {
      %dma_start3A = arith.constant 0 : i32
      %dma_start3A_73 = arith.constant 0 : i32
      %dma_start3A_74 = arith.constant 0 : i32
      %dma_start3A_75 = tpu.memref_slice %arg12[%dma_start3A, %dma_start3A_73, %dma_start3A_74] : memref<2x128x64xf32, #tpu.memory_space<vmem>> -> memref<1x128x64xf32, #tpu.memory_space<vmem>>
      %dma_start3A_76 = tpu.memref_squeeze %dma_start3A_75 : memref<1x128x64xf32, #tpu.memory_space<vmem>> -> memref<128x64xf32, #tpu.memory_space<vmem>>
      %dma_start3A_77 = arith.constant 0 : i32
      %dma_start3A_78 = tpu.memref_slice %arg10[%scan3A_72, %dma_start3A_77] : memref<82x128xi32, #tpu.memory_space<vmem>> -> memref<1x128xi32, #tpu.memory_space<vmem>>
      %dma_start3A_79 = tpu.memref_squeeze %dma_start3A_78 : memref<1x128xi32, #tpu.memory_space<vmem>> -> memref<128xi32, #tpu.memory_space<vmem>>
      %dma_start3A_80 = arith.constant 0 : i32
      %dma_start3A_81 = arith.constant 0 : i32
      %dma_start3A_82 = tpu.memref_slice %arg2[%dma_start3A_80, %dma_start3A_81] : memref<10000x64xf32, #tpu.memory_space<hbm>> -> memref<10000x64xf32, #tpu.memory_space<hbm>>
      tpu.enqueue_indirect_dma source(%dma_start3A_82 : memref<10000x64xf32, #tpu.memory_space<hbm>>) target(%dma_start3A_76 : memref<128x64xf32, #tpu.memory_space<vmem>>) offsets(%dma_start3A_79 : memref<128xi32, #tpu.memory_space<vmem>>) semaphore(%arg15 : memref<!tpu.dma_semaphore, #tpu.memory_space<semaphore_mem>>)
      %dma_wait3A = arith.constant 0 : i32
      %dma_wait3A_83 = arith.constant 0 : i32
      %dma_wait3A_84 = arith.constant 0 : i32
      %dma_wait3A_85 = tpu.memref_slice %arg12[%dma_wait3A, %dma_wait3A_83, %dma_wait3A_84] : memref<2x128x64xf32, #tpu.memory_space<vmem>> -> memref<1x128x64xf32, #tpu.memory_space<vmem>>
      %dma_wait3A_86 = tpu.memref_squeeze %dma_wait3A_85 : memref<1x128x64xf32, #tpu.memory_space<vmem>> -> memref<128x64xf32, #tpu.memory_space<vmem>>
      %dma_wait3A_87 = arith.constant 0 : i32
      %dma_wait3A_88 = tpu.memref_slice %arg10[%scan3A_72, %dma_wait3A_87] : memref<82x128xi32, #tpu.memory_space<vmem>> -> memref<1x128xi32, #tpu.memory_space<vmem>>
      %dma_wait3A_89 = tpu.memref_squeeze %dma_wait3A_88 : memref<1x128xi32, #tpu.memory_space<vmem>> -> memref<128xi32, #tpu.memory_space<vmem>>
      %dma_wait3A_90 = arith.constant 0 : i32
      %dma_wait3A_91 = arith.constant 0 : i32
      %dma_wait3A_92 = tpu.memref_slice %arg2[%dma_wait3A_90, %dma_wait3A_91] : memref<10000x64xf32, #tpu.memory_space<hbm>> -> memref<10000x64xf32, #tpu.memory_space<hbm>>
      tpu.wait_indirect_dma semaphore(%arg15 : memref<!tpu.dma_semaphore, #tpu.memory_space<semaphore_mem>>) src(%dma_wait3A_92 : memref<10000x64xf32, #tpu.memory_space<hbm>>) dst(%dma_wait3A_86 : memref<128x64xf32, #tpu.memory_space<vmem>>)
      %run_scoped3A = arith.constant 0 : i32
      "tpu.region"() ({
        %run_scoped3A_93 = tpu.sem_alloc : memref<!tpu.dma_semaphore, #tpu.memory_space<semaphore_mem>>
        %dma_start3A_94 = arith.constant 0 : i32
        %dma_start3A_95 = arith.constant 0 : i32
        %dma_start3A_96 = tpu.memref_slice %arg12[%run_scoped3A, %dma_start3A_94, %dma_start3A_95] : memref<2x128x64xf32, #tpu.memory_space<vmem>> -> memref<1x128x64xf32, #tpu.memory_space<vmem>>
        %dma_start3A_97 = tpu.memref_squeeze %dma_start3A_96 : memref<1x128x64xf32, #tpu.memory_space<vmem>> -> memref<128x64xf32, #tpu.memory_space<vmem>>
        %dma_start3A_98 = arith.constant 0 : i32
        %dma_start3A_99 = tpu.memref_slice %arg11[%scan3A_72, %dma_start3A_98] : memref<80x128xi32, #tpu.memory_space<vmem>> -> memref<1x128xi32, #tpu.memory_space<vmem>>
        %dma_start3A_100 = tpu.memref_squeeze %dma_start3A_99 : memref<1x128xi32, #tpu.memory_space<vmem>> -> memref<128xi32, #tpu.memory_space<vmem>>
        %dma_start3A_101 = arith.constant 0 : i32
        %dma_start3A_102 = arith.constant 0 : i32
        %dma_start3A_103 = tpu.memref_slice %arg14[%dma_start3A_101, %dma_start3A_102] : memref<10112x64xf32, #tpu.memory_space<vmem_shared>> -> memref<10112x64xf32, #tpu.memory_space<vmem_shared>>
        tpu.enqueue_indirect_dma source(%dma_start3A_97 : memref<128x64xf32, #tpu.memory_space<vmem>>) target(%dma_start3A_103 : memref<10112x64xf32, #tpu.memory_space<vmem_shared>>) offsets(%dma_start3A_100 : memref<128xi32, #tpu.memory_space<vmem>>) semaphore(%run_scoped3A_93 : memref<!tpu.dma_semaphore, #tpu.memory_space<semaphore_mem>>) {add = true}
        %dma_wait3A_104 = arith.constant 0 : i32
        %dma_wait3A_105 = arith.constant 0 : i32
        %dma_wait3A_106 = tpu.memref_slice %arg12[%run_scoped3A, %dma_wait3A_104, %dma_wait3A_105] : memref<2x128x64xf32, #tpu.memory_space<vmem>> -> memref<1x128x64xf32, #tpu.memory_space<vmem>>
        %dma_wait3A_107 = tpu.memref_squeeze %dma_wait3A_106 : memref<1x128x64xf32, #tpu.memory_space<vmem>> -> memref<128x64xf32, #tpu.memory_space<vmem>>
        %dma_wait3A_108 = arith.constant 0 : i32
        %dma_wait3A_109 = tpu.memref_slice %arg11[%scan3A_72, %dma_wait3A_108] : memref<80x128xi32, #tpu.memory_space<vmem>> -> memref<1x128xi32, #tpu.memory_space<vmem>>
        %dma_wait3A_110 = tpu.memref_squeeze %dma_wait3A_109 : memref<1x128xi32, #tpu.memory_space<vmem>> -> memref<128xi32, #tpu.memory_space<vmem>>
        %dma_wait3A_111 = arith.constant 0 : i32
        %dma_wait3A_112 = arith.constant 0 : i32
        %dma_wait3A_113 = tpu.memref_slice %arg14[%dma_wait3A_111, %dma_wait3A_112] : memref<10112x64xf32, #tpu.memory_space<vmem_shared>> -> memref<10112x64xf32, #tpu.memory_space<vmem_shared>>
        tpu.wait_indirect_dma semaphore(%run_scoped3A_93 : memref<!tpu.dma_semaphore, #tpu.memory_space<semaphore_mem>>) src(%dma_wait3A_107 : memref<128x64xf32, #tpu.memory_space<vmem>>) dst(%dma_wait3A_113 : memref<10112x64xf32, #tpu.memory_space<vmem_shared>>)
        tpu.yield
      }) : () -> ()
      "tpu.region"() ({
        %run_scoped3A_93 = tpu.sem_alloc : memref<!tpu.dma_semaphore, #tpu.memory_space<semaphore_mem>>
        %dma_start3A_94 = arith.constant 0 : i32
        %dma_start3A_95 = tpu.memref_slice %arg11[%scan3A_72, %dma_start3A_94] : memref<80x128xi32, #tpu.memory_space<vmem>> -> memref<1x128xi32, #tpu.memory_space<vmem>>
        %dma_start3A_96 = tpu.memref_squeeze %dma_start3A_95 : memref<1x128xi32, #tpu.memory_space<vmem>> -> memref<128xi32, #tpu.memory_space<vmem>>
        %dma_start3A_97 = arith.constant 0 : i32
        %dma_start3A_98 = tpu.memref_slice %arg20[%dma_start3A_97] : memref<10112xf32, #tpu.memory_space<vmem_shared>> -> memref<10112xf32, #tpu.memory_space<vmem_shared>>
        tpu.enqueue_indirect_dma source(%arg17 : memref<128xf32, #tpu.memory_space<vmem>>) target(%dma_start3A_98 : memref<10112xf32, #tpu.memory_space<vmem_shared>>) offsets(%dma_start3A_96 : memref<128xi32, #tpu.memory_space<vmem>>) semaphore(%run_scoped3A_93 : memref<!tpu.dma_semaphore, #tpu.memory_space<semaphore_mem>>) {add = true}
        %dma_wait3A_99 = arith.constant 0 : i32
        %dma_wait3A_100 = tpu.memref_slice %arg11[%scan3A_72, %dma_wait3A_99] : memref<80x128xi32, #tpu.memory_space<vmem>> -> memref<1x128xi32, #tpu.memory_space<vmem>>
        %dma_wait3A_101 = tpu.memref_squeeze %dma_wait3A_100 : memref<1x128xi32, #tpu.memory_space<vmem>> -> memref<128xi32, #tpu.memory_space<vmem>>
        %dma_wait3A_102 = arith.constant 0 : i32
        %dma_wait3A_103 = tpu.memref_slice %arg20[%dma_wait3A_102] : memref<10112xf32, #tpu.memory_space<vmem_shared>> -> memref<10112xf32, #tpu.memory_space<vmem_shared>>
        tpu.wait_indirect_dma semaphore(%run_scoped3A_93 : memref<!tpu.dma_semaphore, #tpu.memory_space<semaphore_mem>>) src(%arg17 : memref<128xf32, #tpu.memory_space<vmem>>) dst(%dma_wait3A_103 : memref<10112xf32, #tpu.memory_space<vmem_shared>>)
        tpu.yield
      }) : () -> ()
    }
    %scan3A_53 = arith.constant 80 : i32
    %barrier3A_54 = arith.constant 0 : index
    tpu.barrier barrier_id(%barrier3A_54)
    "tpu.region"() ({
      %run_scoped3A = tpu.sem_alloc : memref<!tpu.dma_semaphore, #tpu.memory_space<semaphore_mem>>
      %dma_start3A = arith.constant 0 : i32
      %dma_start3A_72 = tpu.memref_slice %arg14[%multiple_of3A, %dma_start3A] : memref<10112x64xf32, #tpu.memory_space<vmem_shared>> -> memref<632x64xf32, #tpu.memory_space<vmem_shared>>
      %dma_start3A_73 = arith.constant 0 : i32
      %dma_start3A_74 = tpu.memref_slice %arg14[%multiple_of3A, %dma_start3A_73] : memref<10112x64xf32, #tpu.memory_space<vmem_shared>> -> memref<632x64xf32, #tpu.memory_space<vmem_shared>>
      tpu.enqueue_dma source(%dma_start3A_74 : memref<632x64xf32, #tpu.memory_space<vmem_shared>>) target(%arg13 : memref<632x64xf32, #tpu.memory_space<vmem>>) target_semaphore(%run_scoped3A : memref<!tpu.dma_semaphore, #tpu.memory_space<semaphore_mem>>)
      %dma_wait3A = arith.constant 0 : i32
      %dma_wait3A_75 = tpu.memref_slice %arg14[%multiple_of3A, %dma_wait3A] : memref<10112x64xf32, #tpu.memory_space<vmem_shared>> -> memref<632x64xf32, #tpu.memory_space<vmem_shared>>
      %dma_wait3A_76 = arith.constant 0 : i32
      %dma_wait3A_77 = tpu.memref_slice %arg14[%multiple_of3A, %dma_wait3A_76] : memref<10112x64xf32, #tpu.memory_space<vmem_shared>> -> memref<632x64xf32, #tpu.memory_space<vmem_shared>>
      tpu.wait_dma2 semaphore(%run_scoped3A : memref<!tpu.dma_semaphore, #tpu.memory_space<semaphore_mem>>) src(%dma_wait3A_77 : memref<632x64xf32, #tpu.memory_space<vmem_shared>>) dst(%arg13 : memref<632x64xf32, #tpu.memory_space<vmem>>)
      tpu.yield
    }) : () -> ()
    "tpu.region"() ({
      %run_scoped3A = tpu.sem_alloc : memref<!tpu.dma_semaphore, #tpu.memory_space<semaphore_mem>>
      %dma_start3A = arith.constant 0 : i32
      %dma_start3A_72 = tpu.memref_slice %arg7[%arg0, %multiple_of3A, %dma_start3A] : memref<2x10112x64xf32, #tpu.memory_space<hbm>> -> memref<1x632x64xf32, #tpu.memory_space<hbm>>
      %dma_start3A_73 = tpu.memref_squeeze %dma_start3A_72 : memref<1x632x64xf32, #tpu.memory_space<hbm>> -> memref<632x64xf32, #tpu.memory_space<hbm>>
      %dma_start3A_74 = arith.constant 0 : i32
      %dma_start3A_75 = tpu.memref_slice %arg7[%arg0, %multiple_of3A, %dma_start3A_74] : memref<2x10112x64xf32, #tpu.memory_space<hbm>> -> memref<1x632x64xf32, #tpu.memory_space<hbm>>
      %dma_start3A_76 = tpu.memref_squeeze %dma_start3A_75 : memref<1x632x64xf32, #tpu.memory_space<hbm>> -> memref<632x64xf32, #tpu.memory_space<hbm>>
      tpu.enqueue_dma source(%arg13 : memref<632x64xf32, #tpu.memory_space<vmem>>) target(%dma_start3A_76 : memref<632x64xf32, #tpu.memory_space<hbm>>) target_semaphore(%run_scoped3A : memref<!tpu.dma_semaphore, #tpu.memory_space<semaphore_mem>>)
      %dma_wait3A = arith.constant 0 : i32
      %dma_wait3A_77 = tpu.memref_slice %arg7[%arg0, %multiple_of3A, %dma_wait3A] : memref<2x10112x64xf32, #tpu.memory_space<hbm>> -> memref<1x632x64xf32, #tpu.memory_space<hbm>>
      %dma_wait3A_78 = tpu.memref_squeeze %dma_wait3A_77 : memref<1x632x64xf32, #tpu.memory_space<hbm>> -> memref<632x64xf32, #tpu.memory_space<hbm>>
      %dma_wait3A_79 = arith.constant 0 : i32
      %dma_wait3A_80 = tpu.memref_slice %arg7[%arg0, %multiple_of3A, %dma_wait3A_79] : memref<2x10112x64xf32, #tpu.memory_space<hbm>> -> memref<1x632x64xf32, #tpu.memory_space<hbm>>
      %dma_wait3A_81 = tpu.memref_squeeze %dma_wait3A_80 : memref<1x632x64xf32, #tpu.memory_space<hbm>> -> memref<632x64xf32, #tpu.memory_space<hbm>>
      tpu.wait_dma2 semaphore(%run_scoped3A : memref<!tpu.dma_semaphore, #tpu.memory_space<semaphore_mem>>) src(%arg13 : memref<632x64xf32, #tpu.memory_space<vmem>>) dst(%dma_wait3A_81 : memref<632x64xf32, #tpu.memory_space<hbm>>)
      tpu.yield
    }) : () -> ()
    %eq3A = arith.constant 0 : i32
    %eq3A_55 = arith.cmpi eq, %arg1, %eq3A : i32
    %convert_element_type3A = arith.extui %eq3A_55 : i1 to i32
    %cond3A = arith.constant 0 : i32
    %cond3A_56 = arith.cmpi ne, %convert_element_type3A, %cond3A : i32
    scf.if %cond3A_56 {
      "tpu.region"() ({
        %run_scoped3A = tpu.sem_alloc : memref<!tpu.dma_semaphore, #tpu.memory_space<semaphore_mem>>
        tpu.enqueue_dma source(%arg20 : memref<10112xf32, #tpu.memory_space<vmem_shared>>) target(%arg19 : memref<10112xf32, #tpu.memory_space<vmem>>) target_semaphore(%run_scoped3A : memref<!tpu.dma_semaphore, #tpu.memory_space<semaphore_mem>>)
        tpu.wait_dma2 semaphore(%run_scoped3A : memref<!tpu.dma_semaphore, #tpu.memory_space<semaphore_mem>>) src(%arg20 : memref<10112xf32, #tpu.memory_space<vmem_shared>>) dst(%arg19 : memref<10112xf32, #tpu.memory_space<vmem>>)
        tpu.yield
      }) : () -> ()
    } else {
    }
    %eq3A_57 = arith.constant 0 : i32
    %eq3A_58 = arith.cmpi eq, %arg1, %eq3A_57 : i32
    %eq3A_59 = arith.constant 0 : i32
    %eq3A_60 = arith.cmpi eq, %arg0, %eq3A_59 : i32
    %and3A = arith.andi %eq3A_58, %eq3A_60 : i1
    %convert_element_type3A_61 = arith.extui %and3A : i1 to i32
    %cond3A_62 = arith.constant 0 : i32
    %cond3A_63 = arith.cmpi ne, %convert_element_type3A_61, %cond3A_62 : i32
    scf.if %cond3A_63 {
      "tpu.region"() ({
        %run_scoped3A = tpu.sem_alloc : memref<!tpu.dma_semaphore, #tpu.memory_space<semaphore_mem>>
        tpu.enqueue_dma source(%arg19 : memref<10112xf32, #tpu.memory_space<vmem>>) target(%arg8 : memref<10112xf32, #tpu.memory_space<hbm>>) target_semaphore(%run_scoped3A : memref<!tpu.dma_semaphore, #tpu.memory_space<semaphore_mem>>)
        tpu.wait_dma2 semaphore(%run_scoped3A : memref<!tpu.dma_semaphore, #tpu.memory_space<semaphore_mem>>) src(%arg19 : memref<10112xf32, #tpu.memory_space<vmem>>) dst(%arg8 : memref<10112xf32, #tpu.memory_space<hbm>>)
        tpu.yield
      }) : () -> ()
    } else {
    }
    %eq3A_64 = arith.constant 0 : i32
    %eq3A_65 = arith.cmpi eq, %arg1, %eq3A_64 : i32
    %eq3A_66 = arith.constant 1 : i32
    %eq3A_67 = arith.cmpi eq, %arg0, %eq3A_66 : i32
    %and3A_68 = arith.andi %eq3A_65, %eq3A_67 : i1
    %convert_element_type3A_69 = arith.extui %and3A_68 : i1 to i32
    %cond3A_70 = arith.constant 0 : i32
    %cond3A_71 = arith.cmpi ne, %convert_element_type3A_69, %cond3A_70 : i32
    scf.if %cond3A_71 {
      "tpu.region"() ({
        %run_scoped3A = tpu.sem_alloc : memref<!tpu.dma_semaphore, #tpu.memory_space<semaphore_mem>>
        tpu.enqueue_dma source(%arg19 : memref<10112xf32, #tpu.memory_space<vmem>>) target(%arg9 : memref<10112xf32, #tpu.memory_space<hbm>>) target_semaphore(%run_scoped3A : memref<!tpu.dma_semaphore, #tpu.memory_space<semaphore_mem>>)
        tpu.wait_dma2 semaphore(%run_scoped3A : memref<!tpu.dma_semaphore, #tpu.memory_space<semaphore_mem>>) src(%arg19 : memref<10112xf32, #tpu.memory_space<vmem>>) dst(%arg9 : memref<10112xf32, #tpu.memory_space<hbm>>)
        tpu.yield
      }) : () -> ()
    } else {
    }
    return
  }
}

#map = affine_map<(d0, d1) -> (0, 0)>
#map1 = affine_map<(d0, d1) -> (0, 0, 0)>
module attributes {stable_mosaic.version = 14 : i64} {
  func.func @seg_sum_sc_d32(%arg0: i32, %arg1: i32, %arg2: memref<10000x32xf32, #tpu.memory_space<hbm>>, %arg3: memref<32x82x128xi32, #tpu.memory_space<hbm>>, %arg4: memref<32x80x128xi32, #tpu.memory_space<hbm>>, %arg5: memref<10112x32xf32, #tpu.memory_space<hbm>>, %arg6: memref<2x10112x32xf32, #tpu.memory_space<hbm>>, %arg7: memref<82x128xi32, #tpu.memory_space<vmem>>, %arg8: memref<80x128xi32, #tpu.memory_space<vmem>>, %arg9: memref<2x128x32xf32, #tpu.memory_space<vmem>>, %arg10: memref<632x32xf32, #tpu.memory_space<vmem>>, %arg11: memref<10112x32xf32, #tpu.memory_space<vmem_shared>>, %arg12: memref<!tpu.dma_semaphore, #tpu.memory_space<semaphore_mem>>, %arg13: memref<!tpu.dma_semaphore, #tpu.memory_space<semaphore_mem>>) attributes {dimension_semantics = [#tpu.dimension_semantics<core_parallel>, #tpu.dimension_semantics<subcore_parallel>], iteration_bounds = array<i64: 2, 16>, scalar_prefetch = 0 : i64, scratch_operands = 7 : i64, tpu.core_type = #tpu.core_type<sc_vector_subcore>, window_params = [{transform_indices = #map}, {transform_indices = #map1}, {transform_indices = #map1}, {transform_indices = #map}, {transform_indices = #map1}]} {
    %mul3A = arith.constant 2 : i32
    %mul3A_0 = arith.muli %arg1, %mul3A : i32
    %add3A = arith.addi %mul3A_0, %arg0 : i32
    %mul3A_1 = arith.constant 632 : i32
    %mul3A_2 = arith.muli %arg1, %mul3A_1 : i32
    %multiple_of3A = tpu.assume_multiple %mul3A_2, 8 : i32
    "tpu.region"() ({
      %run_scoped3A = tpu.sem_alloc : memref<!tpu.dma_semaphore, #tpu.memory_space<semaphore_mem>>
      %dma_start3A = arith.constant 0 : i32
      %dma_start3A_9 = arith.constant 0 : i32
      %dma_start3A_10 = tpu.memref_slice %arg3[%add3A, %dma_start3A, %dma_start3A_9] : memref<32x82x128xi32, #tpu.memory_space<hbm>> -> memref<1x82x128xi32, #tpu.memory_space<hbm>>
      %dma_start3A_11 = tpu.memref_squeeze %dma_start3A_10 : memref<1x82x128xi32, #tpu.memory_space<hbm>> -> memref<82x128xi32, #tpu.memory_space<hbm>>
      %dma_start3A_12 = arith.constant 0 : i32
      %dma_start3A_13 = arith.constant 0 : i32
      %dma_start3A_14 = tpu.memref_slice %arg3[%add3A, %dma_start3A_12, %dma_start3A_13] : memref<32x82x128xi32, #tpu.memory_space<hbm>> -> memref<1x82x128xi32, #tpu.memory_space<hbm>>
      %dma_start3A_15 = tpu.memref_squeeze %dma_start3A_14 : memref<1x82x128xi32, #tpu.memory_space<hbm>> -> memref<82x128xi32, #tpu.memory_space<hbm>>
      tpu.enqueue_dma source(%dma_start3A_15 : memref<82x128xi32, #tpu.memory_space<hbm>>) target(%arg7 : memref<82x128xi32, #tpu.memory_space<vmem>>) target_semaphore(%run_scoped3A : memref<!tpu.dma_semaphore, #tpu.memory_space<semaphore_mem>>)
      %dma_wait3A = arith.constant 0 : i32
      %dma_wait3A_16 = arith.constant 0 : i32
      %dma_wait3A_17 = tpu.memref_slice %arg3[%add3A, %dma_wait3A, %dma_wait3A_16] : memref<32x82x128xi32, #tpu.memory_space<hbm>> -> memref<1x82x128xi32, #tpu.memory_space<hbm>>
      %dma_wait3A_18 = tpu.memref_squeeze %dma_wait3A_17 : memref<1x82x128xi32, #tpu.memory_space<hbm>> -> memref<82x128xi32, #tpu.memory_space<hbm>>
      %dma_wait3A_19 = arith.constant 0 : i32
      %dma_wait3A_20 = arith.constant 0 : i32
      %dma_wait3A_21 = tpu.memref_slice %arg3[%add3A, %dma_wait3A_19, %dma_wait3A_20] : memref<32x82x128xi32, #tpu.memory_space<hbm>> -> memref<1x82x128xi32, #tpu.memory_space<hbm>>
      %dma_wait3A_22 = tpu.memref_squeeze %dma_wait3A_21 : memref<1x82x128xi32, #tpu.memory_space<hbm>> -> memref<82x128xi32, #tpu.memory_space<hbm>>
      tpu.wait_dma2 semaphore(%run_scoped3A : memref<!tpu.dma_semaphore, #tpu.memory_space<semaphore_mem>>) src(%dma_wait3A_22 : memref<82x128xi32, #tpu.memory_space<hbm>>) dst(%arg7 : memref<82x128xi32, #tpu.memory_space<vmem>>)
      tpu.yield
    }) : () -> ()
    "tpu.region"() ({
      %run_scoped3A = tpu.sem_alloc : memref<!tpu.dma_semaphore, #tpu.memory_space<semaphore_mem>>
      %dma_start3A = arith.constant 0 : i32
      %dma_start3A_9 = arith.constant 0 : i32
      %dma_start3A_10 = tpu.memref_slice %arg4[%add3A, %dma_start3A, %dma_start3A_9] : memref<32x80x128xi32, #tpu.memory_space<hbm>> -> memref<1x80x128xi32, #tpu.memory_space<hbm>>
      %dma_start3A_11 = tpu.memref_squeeze %dma_start3A_10 : memref<1x80x128xi32, #tpu.memory_space<hbm>> -> memref<80x128xi32, #tpu.memory_space<hbm>>
      %dma_start3A_12 = arith.constant 0 : i32
      %dma_start3A_13 = arith.constant 0 : i32
      %dma_start3A_14 = tpu.memref_slice %arg4[%add3A, %dma_start3A_12, %dma_start3A_13] : memref<32x80x128xi32, #tpu.memory_space<hbm>> -> memref<1x80x128xi32, #tpu.memory_space<hbm>>
      %dma_start3A_15 = tpu.memref_squeeze %dma_start3A_14 : memref<1x80x128xi32, #tpu.memory_space<hbm>> -> memref<80x128xi32, #tpu.memory_space<hbm>>
      tpu.enqueue_dma source(%dma_start3A_15 : memref<80x128xi32, #tpu.memory_space<hbm>>) target(%arg8 : memref<80x128xi32, #tpu.memory_space<vmem>>) target_semaphore(%run_scoped3A : memref<!tpu.dma_semaphore, #tpu.memory_space<semaphore_mem>>)
      %dma_wait3A = arith.constant 0 : i32
      %dma_wait3A_16 = arith.constant 0 : i32
      %dma_wait3A_17 = tpu.memref_slice %arg4[%add3A, %dma_wait3A, %dma_wait3A_16] : memref<32x80x128xi32, #tpu.memory_space<hbm>> -> memref<1x80x128xi32, #tpu.memory_space<hbm>>
      %dma_wait3A_18 = tpu.memref_squeeze %dma_wait3A_17 : memref<1x80x128xi32, #tpu.memory_space<hbm>> -> memref<80x128xi32, #tpu.memory_space<hbm>>
      %dma_wait3A_19 = arith.constant 0 : i32
      %dma_wait3A_20 = arith.constant 0 : i32
      %dma_wait3A_21 = tpu.memref_slice %arg4[%add3A, %dma_wait3A_19, %dma_wait3A_20] : memref<32x80x128xi32, #tpu.memory_space<hbm>> -> memref<1x80x128xi32, #tpu.memory_space<hbm>>
      %dma_wait3A_22 = tpu.memref_squeeze %dma_wait3A_21 : memref<1x80x128xi32, #tpu.memory_space<hbm>> -> memref<80x128xi32, #tpu.memory_space<hbm>>
      tpu.wait_dma2 semaphore(%run_scoped3A : memref<!tpu.dma_semaphore, #tpu.memory_space<semaphore_mem>>) src(%dma_wait3A_22 : memref<80x128xi32, #tpu.memory_space<hbm>>) dst(%arg8 : memref<80x128xi32, #tpu.memory_space<vmem>>)
      tpu.yield
    }) : () -> ()
    "tpu.region"() ({
      %run_scoped3A = tpu.sem_alloc : memref<!tpu.dma_semaphore, #tpu.memory_space<semaphore_mem>>
      %dma_start3A = arith.constant 0 : i32
      %dma_start3A_9 = tpu.memref_slice %arg5[%multiple_of3A, %dma_start3A] : memref<10112x32xf32, #tpu.memory_space<hbm>> -> memref<632x32xf32, #tpu.memory_space<hbm>>
      %dma_start3A_10 = arith.constant 0 : i32
      %dma_start3A_11 = tpu.memref_slice %arg5[%multiple_of3A, %dma_start3A_10] : memref<10112x32xf32, #tpu.memory_space<hbm>> -> memref<632x32xf32, #tpu.memory_space<hbm>>
      tpu.enqueue_dma source(%dma_start3A_11 : memref<632x32xf32, #tpu.memory_space<hbm>>) target(%arg10 : memref<632x32xf32, #tpu.memory_space<vmem>>) target_semaphore(%run_scoped3A : memref<!tpu.dma_semaphore, #tpu.memory_space<semaphore_mem>>)
      %dma_wait3A = arith.constant 0 : i32
      %dma_wait3A_12 = tpu.memref_slice %arg5[%multiple_of3A, %dma_wait3A] : memref<10112x32xf32, #tpu.memory_space<hbm>> -> memref<632x32xf32, #tpu.memory_space<hbm>>
      %dma_wait3A_13 = arith.constant 0 : i32
      %dma_wait3A_14 = tpu.memref_slice %arg5[%multiple_of3A, %dma_wait3A_13] : memref<10112x32xf32, #tpu.memory_space<hbm>> -> memref<632x32xf32, #tpu.memory_space<hbm>>
      tpu.wait_dma2 semaphore(%run_scoped3A : memref<!tpu.dma_semaphore, #tpu.memory_space<semaphore_mem>>) src(%dma_wait3A_14 : memref<632x32xf32, #tpu.memory_space<hbm>>) dst(%arg10 : memref<632x32xf32, #tpu.memory_space<vmem>>)
      tpu.yield
    }) : () -> ()
    "tpu.region"() ({
      %run_scoped3A = tpu.sem_alloc : memref<!tpu.dma_semaphore, #tpu.memory_space<semaphore_mem>>
      %dma_start3A = arith.constant 0 : i32
      %dma_start3A_9 = tpu.memref_slice %arg11[%multiple_of3A, %dma_start3A] : memref<10112x32xf32, #tpu.memory_space<vmem_shared>> -> memref<632x32xf32, #tpu.memory_space<vmem_shared>>
      %dma_start3A_10 = arith.constant 0 : i32
      %dma_start3A_11 = tpu.memref_slice %arg11[%multiple_of3A, %dma_start3A_10] : memref<10112x32xf32, #tpu.memory_space<vmem_shared>> -> memref<632x32xf32, #tpu.memory_space<vmem_shared>>
      tpu.enqueue_dma source(%arg10 : memref<632x32xf32, #tpu.memory_space<vmem>>) target(%dma_start3A_11 : memref<632x32xf32, #tpu.memory_space<vmem_shared>>) target_semaphore(%run_scoped3A : memref<!tpu.dma_semaphore, #tpu.memory_space<semaphore_mem>>)
      %dma_wait3A = arith.constant 0 : i32
      %dma_wait3A_12 = tpu.memref_slice %arg11[%multiple_of3A, %dma_wait3A] : memref<10112x32xf32, #tpu.memory_space<vmem_shared>> -> memref<632x32xf32, #tpu.memory_space<vmem_shared>>
      %dma_wait3A_13 = arith.constant 0 : i32
      %dma_wait3A_14 = tpu.memref_slice %arg11[%multiple_of3A, %dma_wait3A_13] : memref<10112x32xf32, #tpu.memory_space<vmem_shared>> -> memref<632x32xf32, #tpu.memory_space<vmem_shared>>
      tpu.wait_dma2 semaphore(%run_scoped3A : memref<!tpu.dma_semaphore, #tpu.memory_space<semaphore_mem>>) src(%arg10 : memref<632x32xf32, #tpu.memory_space<vmem>>) dst(%dma_wait3A_14 : memref<632x32xf32, #tpu.memory_space<vmem_shared>>)
      tpu.yield
    }) : () -> ()
    %barrier3A = arith.constant 0 : index
    tpu.barrier barrier_id(%barrier3A)
    %scan3A = arith.constant 0 : i32
    %scan3A_3 = arith.constant 0 : i32
    %scan3A_4 = arith.constant 80 : i32
    %scan3A_5 = arith.addi %scan3A_3, %scan3A_4 : i32
    %scan3A_6 = arith.constant 1 : i32
    scf.for %scan3A_9 = %scan3A_3 to %scan3A_5 step %scan3A_6  : i32 {
      %dma_start3A = arith.constant 0 : i32
      %dma_start3A_10 = arith.constant 0 : i32
      %dma_start3A_11 = arith.constant 0 : i32
      %dma_start3A_12 = tpu.memref_slice %arg9[%dma_start3A, %dma_start3A_10, %dma_start3A_11] : memref<2x128x32xf32, #tpu.memory_space<vmem>> -> memref<1x128x32xf32, #tpu.memory_space<vmem>>
      %dma_start3A_13 = tpu.memref_squeeze %dma_start3A_12 : memref<1x128x32xf32, #tpu.memory_space<vmem>> -> memref<128x32xf32, #tpu.memory_space<vmem>>
      %dma_start3A_14 = arith.constant 0 : i32
      %dma_start3A_15 = tpu.memref_slice %arg7[%scan3A_9, %dma_start3A_14] : memref<82x128xi32, #tpu.memory_space<vmem>> -> memref<1x128xi32, #tpu.memory_space<vmem>>
      %dma_start3A_16 = tpu.memref_squeeze %dma_start3A_15 : memref<1x128xi32, #tpu.memory_space<vmem>> -> memref<128xi32, #tpu.memory_space<vmem>>
      %dma_start3A_17 = arith.constant 0 : i32
      %dma_start3A_18 = arith.constant 0 : i32
      %dma_start3A_19 = tpu.memref_slice %arg2[%dma_start3A_17, %dma_start3A_18] : memref<10000x32xf32, #tpu.memory_space<hbm>> -> memref<10000x32xf32, #tpu.memory_space<hbm>>
      tpu.enqueue_indirect_dma source(%dma_start3A_19 : memref<10000x32xf32, #tpu.memory_space<hbm>>) target(%dma_start3A_13 : memref<128x32xf32, #tpu.memory_space<vmem>>) offsets(%dma_start3A_16 : memref<128xi32, #tpu.memory_space<vmem>>) semaphore(%arg12 : memref<!tpu.dma_semaphore, #tpu.memory_space<semaphore_mem>>)
      %dma_wait3A = arith.constant 0 : i32
      %dma_wait3A_20 = arith.constant 0 : i32
      %dma_wait3A_21 = arith.constant 0 : i32
      %dma_wait3A_22 = tpu.memref_slice %arg9[%dma_wait3A, %dma_wait3A_20, %dma_wait3A_21] : memref<2x128x32xf32, #tpu.memory_space<vmem>> -> memref<1x128x32xf32, #tpu.memory_space<vmem>>
      %dma_wait3A_23 = tpu.memref_squeeze %dma_wait3A_22 : memref<1x128x32xf32, #tpu.memory_space<vmem>> -> memref<128x32xf32, #tpu.memory_space<vmem>>
      %dma_wait3A_24 = arith.constant 0 : i32
      %dma_wait3A_25 = tpu.memref_slice %arg7[%scan3A_9, %dma_wait3A_24] : memref<82x128xi32, #tpu.memory_space<vmem>> -> memref<1x128xi32, #tpu.memory_space<vmem>>
      %dma_wait3A_26 = tpu.memref_squeeze %dma_wait3A_25 : memref<1x128xi32, #tpu.memory_space<vmem>> -> memref<128xi32, #tpu.memory_space<vmem>>
      %dma_wait3A_27 = arith.constant 0 : i32
      %dma_wait3A_28 = arith.constant 0 : i32
      %dma_wait3A_29 = tpu.memref_slice %arg2[%dma_wait3A_27, %dma_wait3A_28] : memref<10000x32xf32, #tpu.memory_space<hbm>> -> memref<10000x32xf32, #tpu.memory_space<hbm>>
      tpu.wait_indirect_dma semaphore(%arg12 : memref<!tpu.dma_semaphore, #tpu.memory_space<semaphore_mem>>) src(%dma_wait3A_29 : memref<10000x32xf32, #tpu.memory_space<hbm>>) dst(%dma_wait3A_23 : memref<128x32xf32, #tpu.memory_space<vmem>>)
      %run_scoped3A = arith.constant 0 : i32
      "tpu.region"() ({
        %run_scoped3A_30 = tpu.sem_alloc : memref<!tpu.dma_semaphore, #tpu.memory_space<semaphore_mem>>
        %dma_start3A_31 = arith.constant 0 : i32
        %dma_start3A_32 = arith.constant 0 : i32
        %dma_start3A_33 = tpu.memref_slice %arg9[%run_scoped3A, %dma_start3A_31, %dma_start3A_32] : memref<2x128x32xf32, #tpu.memory_space<vmem>> -> memref<1x128x32xf32, #tpu.memory_space<vmem>>
        %dma_start3A_34 = tpu.memref_squeeze %dma_start3A_33 : memref<1x128x32xf32, #tpu.memory_space<vmem>> -> memref<128x32xf32, #tpu.memory_space<vmem>>
        %dma_start3A_35 = arith.constant 0 : i32
        %dma_start3A_36 = tpu.memref_slice %arg8[%scan3A_9, %dma_start3A_35] : memref<80x128xi32, #tpu.memory_space<vmem>> -> memref<1x128xi32, #tpu.memory_space<vmem>>
        %dma_start3A_37 = tpu.memref_squeeze %dma_start3A_36 : memref<1x128xi32, #tpu.memory_space<vmem>> -> memref<128xi32, #tpu.memory_space<vmem>>
        %dma_start3A_38 = arith.constant 0 : i32
        %dma_start3A_39 = arith.constant 0 : i32
        %dma_start3A_40 = tpu.memref_slice %arg11[%dma_start3A_38, %dma_start3A_39] : memref<10112x32xf32, #tpu.memory_space<vmem_shared>> -> memref<10112x32xf32, #tpu.memory_space<vmem_shared>>
        tpu.enqueue_indirect_dma source(%dma_start3A_34 : memref<128x32xf32, #tpu.memory_space<vmem>>) target(%dma_start3A_40 : memref<10112x32xf32, #tpu.memory_space<vmem_shared>>) offsets(%dma_start3A_37 : memref<128xi32, #tpu.memory_space<vmem>>) semaphore(%run_scoped3A_30 : memref<!tpu.dma_semaphore, #tpu.memory_space<semaphore_mem>>) {add = true}
        %dma_wait3A_41 = arith.constant 0 : i32
        %dma_wait3A_42 = arith.constant 0 : i32
        %dma_wait3A_43 = tpu.memref_slice %arg9[%run_scoped3A, %dma_wait3A_41, %dma_wait3A_42] : memref<2x128x32xf32, #tpu.memory_space<vmem>> -> memref<1x128x32xf32, #tpu.memory_space<vmem>>
        %dma_wait3A_44 = tpu.memref_squeeze %dma_wait3A_43 : memref<1x128x32xf32, #tpu.memory_space<vmem>> -> memref<128x32xf32, #tpu.memory_space<vmem>>
        %dma_wait3A_45 = arith.constant 0 : i32
        %dma_wait3A_46 = tpu.memref_slice %arg8[%scan3A_9, %dma_wait3A_45] : memref<80x128xi32, #tpu.memory_space<vmem>> -> memref<1x128xi32, #tpu.memory_space<vmem>>
        %dma_wait3A_47 = tpu.memref_squeeze %dma_wait3A_46 : memref<1x128xi32, #tpu.memory_space<vmem>> -> memref<128xi32, #tpu.memory_space<vmem>>
        %dma_wait3A_48 = arith.constant 0 : i32
        %dma_wait3A_49 = arith.constant 0 : i32
        %dma_wait3A_50 = tpu.memref_slice %arg11[%dma_wait3A_48, %dma_wait3A_49] : memref<10112x32xf32, #tpu.memory_space<vmem_shared>> -> memref<10112x32xf32, #tpu.memory_space<vmem_shared>>
        tpu.wait_indirect_dma semaphore(%run_scoped3A_30 : memref<!tpu.dma_semaphore, #tpu.memory_space<semaphore_mem>>) src(%dma_wait3A_44 : memref<128x32xf32, #tpu.memory_space<vmem>>) dst(%dma_wait3A_50 : memref<10112x32xf32, #tpu.memory_space<vmem_shared>>)
        tpu.yield
      }) : () -> ()
    }
    %scan3A_7 = arith.constant 80 : i32
    %barrier3A_8 = arith.constant 0 : index
    tpu.barrier barrier_id(%barrier3A_8)
    "tpu.region"() ({
      %run_scoped3A = tpu.sem_alloc : memref<!tpu.dma_semaphore, #tpu.memory_space<semaphore_mem>>
      %dma_start3A = arith.constant 0 : i32
      %dma_start3A_9 = tpu.memref_slice %arg11[%multiple_of3A, %dma_start3A] : memref<10112x32xf32, #tpu.memory_space<vmem_shared>> -> memref<632x32xf32, #tpu.memory_space<vmem_shared>>
      %dma_start3A_10 = arith.constant 0 : i32
      %dma_start3A_11 = tpu.memref_slice %arg11[%multiple_of3A, %dma_start3A_10] : memref<10112x32xf32, #tpu.memory_space<vmem_shared>> -> memref<632x32xf32, #tpu.memory_space<vmem_shared>>
      tpu.enqueue_dma source(%dma_start3A_11 : memref<632x32xf32, #tpu.memory_space<vmem_shared>>) target(%arg10 : memref<632x32xf32, #tpu.memory_space<vmem>>) target_semaphore(%run_scoped3A : memref<!tpu.dma_semaphore, #tpu.memory_space<semaphore_mem>>)
      %dma_wait3A = arith.constant 0 : i32
      %dma_wait3A_12 = tpu.memref_slice %arg11[%multiple_of3A, %dma_wait3A] : memref<10112x32xf32, #tpu.memory_space<vmem_shared>> -> memref<632x32xf32, #tpu.memory_space<vmem_shared>>
      %dma_wait3A_13 = arith.constant 0 : i32
      %dma_wait3A_14 = tpu.memref_slice %arg11[%multiple_of3A, %dma_wait3A_13] : memref<10112x32xf32, #tpu.memory_space<vmem_shared>> -> memref<632x32xf32, #tpu.memory_space<vmem_shared>>
      tpu.wait_dma2 semaphore(%run_scoped3A : memref<!tpu.dma_semaphore, #tpu.memory_space<semaphore_mem>>) src(%dma_wait3A_14 : memref<632x32xf32, #tpu.memory_space<vmem_shared>>) dst(%arg10 : memref<632x32xf32, #tpu.memory_space<vmem>>)
      tpu.yield
    }) : () -> ()
    "tpu.region"() ({
      %run_scoped3A = tpu.sem_alloc : memref<!tpu.dma_semaphore, #tpu.memory_space<semaphore_mem>>
      %dma_start3A = arith.constant 0 : i32
      %dma_start3A_9 = tpu.memref_slice %arg6[%arg0, %multiple_of3A, %dma_start3A] : memref<2x10112x32xf32, #tpu.memory_space<hbm>> -> memref<1x632x32xf32, #tpu.memory_space<hbm>>
      %dma_start3A_10 = tpu.memref_squeeze %dma_start3A_9 : memref<1x632x32xf32, #tpu.memory_space<hbm>> -> memref<632x32xf32, #tpu.memory_space<hbm>>
      %dma_start3A_11 = arith.constant 0 : i32
      %dma_start3A_12 = tpu.memref_slice %arg6[%arg0, %multiple_of3A, %dma_start3A_11] : memref<2x10112x32xf32, #tpu.memory_space<hbm>> -> memref<1x632x32xf32, #tpu.memory_space<hbm>>
      %dma_start3A_13 = tpu.memref_squeeze %dma_start3A_12 : memref<1x632x32xf32, #tpu.memory_space<hbm>> -> memref<632x32xf32, #tpu.memory_space<hbm>>
      tpu.enqueue_dma source(%arg10 : memref<632x32xf32, #tpu.memory_space<vmem>>) target(%dma_start3A_13 : memref<632x32xf32, #tpu.memory_space<hbm>>) target_semaphore(%run_scoped3A : memref<!tpu.dma_semaphore, #tpu.memory_space<semaphore_mem>>)
      %dma_wait3A = arith.constant 0 : i32
      %dma_wait3A_14 = tpu.memref_slice %arg6[%arg0, %multiple_of3A, %dma_wait3A] : memref<2x10112x32xf32, #tpu.memory_space<hbm>> -> memref<1x632x32xf32, #tpu.memory_space<hbm>>
      %dma_wait3A_15 = tpu.memref_squeeze %dma_wait3A_14 : memref<1x632x32xf32, #tpu.memory_space<hbm>> -> memref<632x32xf32, #tpu.memory_space<hbm>>
      %dma_wait3A_16 = arith.constant 0 : i32
      %dma_wait3A_17 = tpu.memref_slice %arg6[%arg0, %multiple_of3A, %dma_wait3A_16] : memref<2x10112x32xf32, #tpu.memory_space<hbm>> -> memref<1x632x32xf32, #tpu.memory_space<hbm>>
      %dma_wait3A_18 = tpu.memref_squeeze %dma_wait3A_17 : memref<1x632x32xf32, #tpu.memory_space<hbm>> -> memref<632x32xf32, #tpu.memory_space<hbm>>
      tpu.wait_dma2 semaphore(%run_scoped3A : memref<!tpu.dma_semaphore, #tpu.memory_space<semaphore_mem>>) src(%arg10 : memref<632x32xf32, #tpu.memory_space<vmem>>) dst(%dma_wait3A_18 : memref<632x32xf32, #tpu.memory_space<hbm>>)
      tpu.yield
    }) : () -> ()
    return
  }
}

module attributes {stable_mosaic.version = 14 : i64} {
  func.func @_tc_proj(%arg0: memref<10000x128xf32, #tpu.memory_space<vmem>>, %arg1: memref<128x128xf32, #tpu.memory_space<vmem>>, %arg2: memref<10000x64xf32, #tpu.memory_space<vmem>>, %arg3: memref<10000x64xf32, #tpu.memory_space<vmem>>) attributes {dimension_semantics = [], scalar_prefetch = 0 : i64, scratch_operands = 0 : i64, tpu.core_type = #tpu.core_type<tc>} {
    %get3A = arith.constant 0 : index
    %get3A_0 = arith.constant 0 : index
    %get3A_1 = vector.load %arg0[%get3A, %get3A_0] : memref<10000x128xf32, #tpu.memory_space<vmem>>, vector<10000x128xf32>
    %get3A_2 = arith.constant 0 : index
    %get3A_3 = arith.constant 0 : index
    %get3A_4 = vector.load %arg1[%get3A_2, %get3A_3] : memref<128x128xf32, #tpu.memory_space<vmem>>, vector<128x128xf32>
    %dot_general3A = arith.constant dense<0.000000e+00> : vector<10000x128xf32>
    %dot_general3A_5 = tpu.matmul %get3A_1, %get3A_4, %dot_general3A {dimension_numbers = #tpu.dot_dimension_numbers<[1], [0], [0], [1], [0, 0, 1, 1], [], []>, transpose_lhs_hint = false} : vector<10000x128xf32>, vector<128x128xf32>, vector<10000x128xf32> -> vector<10000x128xf32>
    %slice3A = vector.extract_strided_slice %dot_general3A_5 {offsets = [0, 0], sizes = [10000, 64], strides = [1, 1]} : vector<10000x128xf32> to vector<10000x64xf32>
    %swap3A = arith.constant 0 : index
    %swap3A_6 = arith.constant 0 : index
    %swap3A_7 = vector.load %arg2[%swap3A, %swap3A_6] : memref<10000x64xf32, #tpu.memory_space<vmem>>, vector<10000x64xf32>
    tpu.vector_store %arg2[%swap3A, %swap3A_6], %slice3A {strides = array<i32>} : memref<10000x64xf32, #tpu.memory_space<vmem>>, vector<10000x64xf32>,
    %slice3A_8 = vector.extract_strided_slice %dot_general3A_5 {offsets = [0, 64], sizes = [10000, 64], strides = [1, 1]} : vector<10000x128xf32> to vector<10000x64xf32>
    %swap3A_9 = arith.constant 0 : index
    %swap3A_10 = arith.constant 0 : index
    %swap3A_11 = vector.load %arg3[%swap3A_9, %swap3A_10] : memref<10000x64xf32, #tpu.memory_space<vmem>>, vector<10000x64xf32>
    tpu.vector_store %arg3[%swap3A_9, %swap3A_10], %slice3A_8 {strides = array<i32>} : memref<10000x64xf32, #tpu.memory_space<vmem>>, vector<10000x64xf32>,
    return
  }
}

module attributes {stable_mosaic.version = 14 : i64} {
  func.func @_tc_mid(%arg0: memref<2x10000x64xf32, #tpu.memory_space<vmem>>, %arg1: memref<2x10000x1xf32, #tpu.memory_space<vmem>>, %arg2: memref<10000x64xf32, #tpu.memory_space<vmem>>, %arg3: memref<1x64xf32, #tpu.memory_space<vmem>>, %arg4: memref<64x64xf32, #tpu.memory_space<vmem>>, %arg5: memref<10000x32xf32, #tpu.memory_space<vmem>>, %arg6: memref<10000x32xf32, #tpu.memory_space<vmem>>) attributes {dimension_semantics = [], scalar_prefetch = 0 : i64, scratch_operands = 0 : i64, tpu.core_type = #tpu.core_type<tc>} {
    %get3A = arith.constant 0 : index
    %get3A_0 = arith.constant 0 : index
    %get3A_1 = arith.constant 0 : index
    %get3A_2 = vector.load %arg1[%get3A, %get3A_0, %get3A_1] : memref<2x10000x1xf32, #tpu.memory_space<vmem>>, vector<1x10000x1xf32>
    %get3A_3 = vector.shape_cast %get3A_2 : vector<1x10000x1xf32> to vector<10000x1xf32>
    %get3A_4 = arith.constant 1 : index
    %get3A_5 = arith.constant 0 : index
    %get3A_6 = arith.constant 0 : index
    %get3A_7 = vector.load %arg1[%get3A_4, %get3A_5, %get3A_6] : memref<2x10000x1xf32, #tpu.memory_space<vmem>>, vector<1x10000x1xf32>
    %get3A_8 = vector.shape_cast %get3A_7 : vector<1x10000x1xf32> to vector<10000x1xf32>
    %add3A = arith.addf %get3A_3, %get3A_8 : vector<10000x1xf32>
    %max3A = arith.constant 1.000000e+00 : f32
    %max3A_9 = vector.broadcast %max3A : f32 to vector<10000x1xf32>
    %max3A_10 = arith.maximumf %add3A, %max3A_9 : vector<10000x1xf32>
    %div3A = arith.constant 1.000000e+00 : f32
    %div3A_11 = vector.broadcast %div3A : f32 to vector<10000x1xf32>
    %div3A_12 = arith.divf %div3A_11, %max3A_10 : vector<10000x1xf32>
    %get3A_13 = arith.constant 0 : index
    %get3A_14 = arith.constant 0 : index
    %get3A_15 = arith.constant 0 : index
    %get3A_16 = vector.load %arg0[%get3A_13, %get3A_14, %get3A_15] : memref<2x10000x64xf32, #tpu.memory_space<vmem>>, vector<1x10000x64xf32>
    %get3A_17 = vector.shape_cast %get3A_16 : vector<1x10000x64xf32> to vector<10000x64xf32>
    %get3A_18 = arith.constant 1 : index
    %get3A_19 = arith.constant 0 : index
    %get3A_20 = arith.constant 0 : index
    %get3A_21 = vector.load %arg0[%get3A_18, %get3A_19, %get3A_20] : memref<2x10000x64xf32, #tpu.memory_space<vmem>>, vector<1x10000x64xf32>
    %get3A_22 = vector.shape_cast %get3A_21 : vector<1x10000x64xf32> to vector<10000x64xf32>
    %add3A_23 = arith.addf %get3A_17, %get3A_22 : vector<10000x64xf32>
    %mul3A = vector.broadcast %div3A_12 : vector<10000x1xf32> to vector<10000x64xf32>
    %mul3A_24 = arith.mulf %add3A_23, %mul3A : vector<10000x64xf32>
    %get3A_25 = arith.constant 0 : index
    %get3A_26 = arith.constant 0 : index
    %get3A_27 = vector.load %arg3[%get3A_25, %get3A_26] : memref<1x64xf32, #tpu.memory_space<vmem>>, vector<1x64xf32>
    %add3A_28 = vector.broadcast %get3A_27 : vector<1x64xf32> to vector<10000x64xf32>
    %add3A_29 = arith.addf %mul3A_24, %add3A_28 : vector<10000x64xf32>
    %get3A_30 = arith.constant 0 : index
    %get3A_31 = arith.constant 0 : index
    %get3A_32 = vector.load %arg2[%get3A_30, %get3A_31] : memref<10000x64xf32, #tpu.memory_space<vmem>>, vector<10000x64xf32>
    %add3A_33 = arith.addf %add3A_29, %get3A_32 : vector<10000x64xf32>
    %max3A_34 = arith.constant 0.000000e+00 : f32
    %max3A_35 = vector.broadcast %max3A_34 : f32 to vector<10000x64xf32>
    %max3A_36 = arith.maximumf %add3A_33, %max3A_35 : vector<10000x64xf32>
    %get3A_37 = arith.constant 0 : index
    %get3A_38 = arith.constant 0 : index
    %get3A_39 = vector.load %arg4[%get3A_37, %get3A_38] : memref<64x64xf32, #tpu.memory_space<vmem>>, vector<64x64xf32>
    %dot_general3A = arith.constant dense<0.000000e+00> : vector<10000x64xf32>
    %dot_general3A_40 = tpu.matmul %max3A_36, %get3A_39, %dot_general3A {dimension_numbers = #tpu.dot_dimension_numbers<[1], [0], [0], [1], [0, 0, 1, 1], [], []>, transpose_lhs_hint = false} : vector<10000x64xf32>, vector<64x64xf32>, vector<10000x64xf32> -> vector<10000x64xf32>
    %slice3A = vector.extract_strided_slice %dot_general3A_40 {offsets = [0, 0], sizes = [10000, 32], strides = [1, 1]} : vector<10000x64xf32> to vector<10000x32xf32>
    %swap3A = arith.constant 0 : index
    %swap3A_41 = arith.constant 0 : index
    %swap3A_42 = vector.load %arg5[%swap3A, %swap3A_41] : memref<10000x32xf32, #tpu.memory_space<vmem>>, vector<10000x32xf32>
    tpu.vector_store %arg5[%swap3A, %swap3A_41], %slice3A {strides = array<i32>} : memref<10000x32xf32, #tpu.memory_space<vmem>>, vector<10000x32xf32>,
    %slice3A_43 = vector.extract_strided_slice %dot_general3A_40 {offsets = [0, 32], sizes = [10000, 32], strides = [1, 1]} : vector<10000x64xf32> to vector<10000x32xf32>
    %swap3A_44 = arith.constant 0 : index
    %swap3A_45 = arith.constant 0 : index
    %swap3A_46 = vector.load %arg6[%swap3A_44, %swap3A_45] : memref<10000x32xf32, #tpu.memory_space<vmem>>, vector<10000x32xf32>
    tpu.vector_store %arg6[%swap3A_44, %swap3A_45], %slice3A_43 {strides = array<i32>} : memref<10000x32xf32, #tpu.memory_space<vmem>>, vector<10000x32xf32>,
    return
  }
}

module attributes {stable_mosaic.version = 14 : i64} {
  func.func @_tc_head(%arg0: memref<2x10000x32xf32, #tpu.memory_space<vmem>>, %arg1: memref<2x10000x1xf32, #tpu.memory_space<vmem>>, %arg2: memref<10000x32xf32, #tpu.memory_space<vmem>>, %arg3: memref<1x32xf32, #tpu.memory_space<vmem>>, %arg4: memref<32x64xf32, #tpu.memory_space<vmem>>, %arg5: memref<1x64xf32, #tpu.memory_space<vmem>>, %arg6: memref<10000x32xf32, #tpu.memory_space<vmem>>, %arg7: memref<10000x64xf32, #tpu.memory_space<vmem>>) attributes {dimension_semantics = [], scalar_prefetch = 0 : i64, scratch_operands = 0 : i64, tpu.core_type = #tpu.core_type<tc>} {
    %get3A = arith.constant 0 : index
    %get3A_0 = arith.constant 0 : index
    %get3A_1 = arith.constant 0 : index
    %get3A_2 = vector.load %arg1[%get3A, %get3A_0, %get3A_1] : memref<2x10000x1xf32, #tpu.memory_space<vmem>>, vector<1x10000x1xf32>
    %get3A_3 = vector.shape_cast %get3A_2 : vector<1x10000x1xf32> to vector<10000x1xf32>
    %get3A_4 = arith.constant 1 : index
    %get3A_5 = arith.constant 0 : index
    %get3A_6 = arith.constant 0 : index
    %get3A_7 = vector.load %arg1[%get3A_4, %get3A_5, %get3A_6] : memref<2x10000x1xf32, #tpu.memory_space<vmem>>, vector<1x10000x1xf32>
    %get3A_8 = vector.shape_cast %get3A_7 : vector<1x10000x1xf32> to vector<10000x1xf32>
    %add3A = arith.addf %get3A_3, %get3A_8 : vector<10000x1xf32>
    %max3A = arith.constant 1.000000e+00 : f32
    %max3A_9 = vector.broadcast %max3A : f32 to vector<10000x1xf32>
    %max3A_10 = arith.maximumf %add3A, %max3A_9 : vector<10000x1xf32>
    %div3A = arith.constant 1.000000e+00 : f32
    %div3A_11 = vector.broadcast %div3A : f32 to vector<10000x1xf32>
    %div3A_12 = arith.divf %div3A_11, %max3A_10 : vector<10000x1xf32>
    %get3A_13 = arith.constant 0 : index
    %get3A_14 = arith.constant 0 : index
    %get3A_15 = arith.constant 0 : index
    %get3A_16 = vector.load %arg0[%get3A_13, %get3A_14, %get3A_15] : memref<2x10000x32xf32, #tpu.memory_space<vmem>>, vector<1x10000x32xf32>
    %get3A_17 = vector.shape_cast %get3A_16 : vector<1x10000x32xf32> to vector<10000x32xf32>
    %get3A_18 = arith.constant 1 : index
    %get3A_19 = arith.constant 0 : index
    %get3A_20 = arith.constant 0 : index
    %get3A_21 = vector.load %arg0[%get3A_18, %get3A_19, %get3A_20] : memref<2x10000x32xf32, #tpu.memory_space<vmem>>, vector<1x10000x32xf32>
    %get3A_22 = vector.shape_cast %get3A_21 : vector<1x10000x32xf32> to vector<10000x32xf32>
    %add3A_23 = arith.addf %get3A_17, %get3A_22 : vector<10000x32xf32>
    %mul3A = vector.broadcast %div3A_12 : vector<10000x1xf32> to vector<10000x32xf32>
    %mul3A_24 = arith.mulf %add3A_23, %mul3A : vector<10000x32xf32>
    %get3A_25 = arith.constant 0 : index
    %get3A_26 = arith.constant 0 : index
    %get3A_27 = vector.load %arg3[%get3A_25, %get3A_26] : memref<1x32xf32, #tpu.memory_space<vmem>>, vector<1x32xf32>
    %add3A_28 = vector.broadcast %get3A_27 : vector<1x32xf32> to vector<10000x32xf32>
    %add3A_29 = arith.addf %mul3A_24, %add3A_28 : vector<10000x32xf32>
    %get3A_30 = arith.constant 0 : index
    %get3A_31 = arith.constant 0 : index
    %get3A_32 = vector.load %arg2[%get3A_30, %get3A_31] : memref<10000x32xf32, #tpu.memory_space<vmem>>, vector<10000x32xf32>
    %add3A_33 = arith.addf %add3A_29, %get3A_32 : vector<10000x32xf32>
    %max3A_34 = arith.constant 0.000000e+00 : f32
    %max3A_35 = vector.broadcast %max3A_34 : f32 to vector<10000x32xf32>
    %max3A_36 = arith.maximumf %add3A_33, %max3A_35 : vector<10000x32xf32>
    %swap3A = arith.constant 0 : index
    %swap3A_37 = arith.constant 0 : index
    %swap3A_38 = vector.load %arg6[%swap3A, %swap3A_37] : memref<10000x32xf32, #tpu.memory_space<vmem>>, vector<10000x32xf32>
    tpu.vector_store %arg6[%swap3A, %swap3A_37], %max3A_36 {strides = array<i32>} : memref<10000x32xf32, #tpu.memory_space<vmem>>, vector<10000x32xf32>,
    %get3A_39 = arith.constant 0 : index
    %get3A_40 = arith.constant 0 : index
    %get3A_41 = vector.load %arg4[%get3A_39, %get3A_40] : memref<32x64xf32, #tpu.memory_space<vmem>>, vector<32x64xf32>
    %dot_general3A = arith.constant dense<0.000000e+00> : vector<10000x64xf32>
    %dot_general3A_42 = tpu.matmul %max3A_36, %get3A_41, %dot_general3A {dimension_numbers = #tpu.dot_dimension_numbers<[1], [0], [0], [1], [0, 0, 1, 1], [], []>, transpose_lhs_hint = false} : vector<10000x32xf32>, vector<32x64xf32>, vector<10000x64xf32> -> vector<10000x64xf32>
    %get3A_43 = arith.constant 0 : index
    %get3A_44 = arith.constant 0 : index
    %get3A_45 = vector.load %arg5[%get3A_43, %get3A_44] : memref<1x64xf32, #tpu.memory_space<vmem>>, vector<1x64xf32>
    %add3A_46 = vector.broadcast %get3A_45 : vector<1x64xf32> to vector<10000x64xf32>
    %add3A_47 = arith.addf %dot_general3A_42, %add3A_46 : vector<10000x64xf32>
    %swap3A_48 = arith.constant 0 : index
    %swap3A_49 = arith.constant 0 : index
    %swap3A_50 = vector.load %arg7[%swap3A_48, %swap3A_49] : memref<10000x64xf32, #tpu.memory_space<vmem>>, vector<10000x64xf32>
    tpu.vector_store %arg7[%swap3A_48, %swap3A_49], %add3A_47 {strides = array<i32>} : memref<10000x64xf32, #tpu.memory_space<vmem>>, vector<10000x64xf32>,
    return
  }
}

</mosaic_0001>

<sc_bundles>
// kernel: seg_sum_sc_d32.3.cloned.1.call-start
scs
__scs_entry_jumppad:
0x0: {  	(pc) =	sbr.rel $0x88, $3  }
0x1: {  	(tag) =	ssettag $0x0;
	lr =	simm.s32 $0x1  }
0x2: {  	[smem:$0x3F97] =	sst lr;
	_ =	strace $0xD0000000  }
0x3: {  	_ = 	snop  }
0x4: {  	_ = 	snop  }
0x5: {  	_ = 	snop  }
0x6: {  	_ = 	snop  }
0x7: {  	_ = 	snop  }
__scs_overlays_trampoline_lowered:
0x8: {  	[smem:$0x3FA6] =	sst s0  }
0x9: {  	[smem:$0x3FA7] =	sst s1  }
0xa: {  	[smem:$0x3FA8] =	sst s2  }
0xb: {  	[smem:$0x3FA9] =	sst s3  }
0xc: {  	[smem:$0x3FAA] =	sst s4  }
0xd: {  	[smem:$0x3FAB] =	sst s5  }
0xe: {  	[smem:$0x3FAC] =	sst s6  }
0xf: {  	[smem:$0x3FAD] =	sst s7  }
0x10: {  	[smem:$0x3FAE] =	sst s8  }
0x11: {  	[smem:$0x3FAF] =	sst s9;
	s0 =	simm.s32 @!p0 $0x0  }
0x12: {  	s1 =	sld [smem:$0x3F95];
	s0 =	simm.s32 @p0 $0x1  }
0x13: {  	[smem:$0x3FB0] =	sst s0;
	s0 =	simm.s32 @!p1 $0x0  }
0x14: {  	s2 =	sld [smem:$0x3F94];
	s0 =	simm.s32 @p1 $0x1  }
0x15: {  	[smem:$0x3FB1] =	sst s0;
	s0 =	simm.s32 @!p2 $0x0  }
0x16: {  	s3 =	sld [smem:$0x3FDB];
	s0 =	simm.s32 @p2 $0x1  }
0x17: {  	s4 =	simm.s32 $0x1BF5;
	[smem:$0x3FB3] =	sst s0  }
0x18: {  	s0 =	sld [smem:$0x3F96];
	_ =	swait.ge [sflag:s4], $0x0  }
0x19: {  	s7 =	sld [smem:$0x3F97]  }
0x1a: {  	s8 =	sadd.s32 $0xFFFFE003, lr  }
0x1b: {  	s9 =	sadd.s32 $0xFFFFFEF7, lr;
	s5 =	simm.s32 $0xFFFFFFFF;
	p2 =	slt.u32 s8, $0xFFFFF086  }
0x1c: {  	p1 =	slt.u32 s9, $0xF7A;
	s5 =	simm.s32 @!p2 $0x0  }
0x1d: {  	s5 =	simm.s32 @p1 $0x1;
	p0 =	seq.s32 s7, s2  }
0x1e: {  	s7 =	smul.u32 @!p0 $0xF7A, s2;
	p2 =	seq.s32 @!p0 s5, $0x0  }
0x1f: {  	s9 =	smul.u32 $0xF7A, s1;
	s8 =	simm.s32 @!p0 $0x1BF5;
	p2 =	por !p2, p0  }
0x20: {  	[sflag:s8] =	ssyncset.s32 @!p0 $0xFFFFF086;
	s6 =	sadd.s32 @!p0 s3, s7;
	s7 =	simm.s32 @!p0 $0x108  }
0x21: {  	s3 =	sadd.s32 s3, s9;
	s6 =	sadd.s32 @!p0 $0x88, s6;
	s7 =	simm.s32 @p2 $0x1082  }
0x22: {  	[simem:s7], [sflag:s8] =	dma.local @!p0 [hbm:s6], $0xF7A  }
0x23: {  	s9 =	sor.u32 $0xD0000000, s2;
	s6 =	simm.s32 $0x108;
	_ =	swait.ge @!p0 [sflag:s8], $0x0  }
0x24: {  	s3 =	sadd.s32 $0x88, s3;
	s6 =	simm.s32 @!p1 $0x1082;
	[sflag:s4] =	ssyncset.s32 $0xFFFFF086  }
0x25: {  	[simem:s6], [sflag:s4] =	dma.local [hbm:s3], $0xF7A  }
0x26: {  	[smem:$0x3F97] =	sst s1;
	(tag) =	ssettag s2;
	_ =	strace s9  }
0x27: {  	s1 =	sld [smem:$0x3FA7]  }
0x28: {  	s2 =	sld [smem:$0x3FA8]  }
0x29: {  	s4 =	sld [smem:$0x3FAA]  }
0x2a: {  	p0 =	seq.s32 s5, $0x0;
	s5 =	sld [smem:$0x3FAB]  }
0x2b: {  	s6 =	sld [smem:$0x3FAC]  }
0x2c: {  	s7 =	sld [smem:$0x3FAD]  }
0x2d: {  	s3 =	simm.s32 $0x108;
	s8 =	sld [smem:$0x3FAE]  }
0x2e: {  	s3 =	simm.s32 @!p0 $0x1082;
	s9 =	sld [smem:$0x3FAF]  }
0x2f: {  	lr =	sadd.s32 s0, s3;
	s0 =	sld [smem:$0x3FA6]  }
0x30: {  	s3 =	sld [smem:$0x3FA9]  }
0x31: {  	[smem:$0x3FB2] =	sst s10  }
0x32: {  	s10 =	sld [smem:$0x3FB0];
	_ =	sdelay $0x3  }
0x33: {  	p0 =	seq.s32 s10, $0x1;
	s10 =	sld [smem:$0x3FB2];
	_ =	sdelay $0x3  }
0x34: {  	[smem:$0x3FB2] =	sst s10  }
0x35: {  	s10 =	sld [smem:$0x3FB1];
	_ =	sdelay $0x3  }
0x36: {  	p1 =	seq.s32 s10, $0x1;
	s10 =	sld [smem:$0x3FB2];
	_ =	sdelay $0x3  }
0x37: {  	[smem:$0x3FB2] =	sst s10  }
0x38: {  	s10 =	sld [smem:$0x3FB3]  }
0x39: {  	_ = 	snop;
	(pc) =	sbr.ind lr, $3  }
0x3a: {  	_ = 	snop  }
0x3b: {  	_ = 	snop  }
0x3c: {  	p2 =	seq.s32 s10, $0x1;
	s10 =	sld [smem:$0x3FB2]  }
0x3d: {  	_ =	shalt  }
0x3e: {  	_ =	shalt  }
0x3f: {  	_ =	shalt  }
0x40: {  	_ =	shalt  }
0x41: {  	_ =	shalt  }
0x42: {  	_ =	shalt  }
0x43: {  	_ =	shalt  }
0x44: {  	_ =	shalt  }
0x45: {  	_ =	shalt  }
0x46: {  	_ =	shalt  }
0x47: {  	_ =	shalt  }
0x48: {  	_ =	shalt  }
0x49: {  	_ =	shalt  }
0x4a: {  	_ =	shalt  }
0x4b: {  	_ =	shalt  }
0x4c: {  	_ =	shalt  }
0x4d: {  	_ =	shalt  }
0x4e: {  	_ =	shalt  }
0x4f: {  	_ =	shalt  }
0x50: {  	_ =	shalt  }
0x51: {  	_ =	shalt  }
0x52: {  	_ =	shalt  }
0x53: {  	_ =	shalt  }
0x54: {  	_ =	shalt  }
0x55: {  	_ =	shalt  }
0x56: {  	_ =	shalt  }
0x57: {  	_ =	shalt  }
0x58: {  	_ =	shalt  }
0x59: {  	_ =	shalt  }
0x5a: {  	_ =	shalt  }
0x5b: {  	_ =	shalt  }
0x5c: {  	_ =	shalt  }
0x5d: {  	_ =	shalt  }
0x5e: {  	_ =	shalt  }
0x5f: {  	_ =	shalt  }
0x60: {  	_ =	shalt  }
0x61: {  	_ =	shalt  }
0x62: {  	_ =	shalt  }
0x63: {  	_ =	shalt  }
0x64: {  	_ =	shalt  }
0x65: {  	_ =	shalt  }
0x66: {  	_ =	shalt  }
0x67: {  	_ =	shalt  }
0x68: {  	_ =	shalt  }
0x69: {  	_ =	shalt  }
0x6a: {  	_ =	shalt  }
0x6b: {  	_ =	shalt  }
0x6c: {  	_ =	shalt  }
0x6d: {  	_ =	shalt  }
0x6e: {  	_ =	shalt  }
0x6f: {  	_ =	shalt  }
0x70: {  	_ =	shalt  }
0x71: {  	_ =	shalt  }
0x72: {  	_ =	shalt  }
0x73: {  	_ =	shalt  }
0x74: {  	_ =	shalt  }
0x75: {  	_ =	shalt  }
0x76: {  	_ =	shalt  }
0x77: {  	_ =	shalt  }
0x78: {  	_ =	shalt  }
0x79: {  	_ =	shalt  }
0x7a: {  	_ =	shalt  }
0x7b: {  	_ =	shalt  }
0x7c: {  	_ =	shalt  }
0x7d: {  	_ =	shalt  }
0x7e: {  	_ =	shalt  }
0x7f: {  	_ =	shalt  }
0x80: {  	_ =	shalt  }
0x81: {  	_ =	shalt  }
0x82: {  	_ =	shalt  }
0x83: {  	_ =	shalt  }
0x84: {  	_ =	shalt  }
0x85: {  	_ =	shalt  }
0x86: {  	_ =	shalt  }
0x87: {  	_ =	shalt  }
.Lfunc_end0:
.L_simem_size_0:
called_computation.1_lowered:
.L_overlay_start_0:
0x88: {  	s2 =	sld [smem:$0x3FD9]  }
0x89: {  	s3 =	sld [smem:$0x3FFE];
	_ =	sdelay $0x1  }
0x8a: {  	s1 =	srdreg.scid  }
0x8b: {  	s0 =	sand.u32 $0x1, s1  }
0x8c: {  	s14 =	sshll.u32 s0, $0xA;
	s2 =	sadd.s32 s3, s2  }
0x8d: {  	s2 =	sadd.s32 s2, s14  }
0x8e: {  	[smem:$0x3FBE] =	sst s2  }
0x8f: {  	_ = 	snop  }
0x90: {  	s2 =	sld [smem:$0x3FD0];
	_ =	sdelay $0x2  }
0x91: {  	s15 =	simm.s32 $0xA;
	s4 =	simm.s32 $0x10  }
0x92: {  	[smem:s4], [sflag:s15] =	dma.local [hbm:s2], $0x1  }
0x93: {  	_ =	swait.eq [sflag:s15], $0x1  }
0x94: {  	[sflag:s15] =	ssyncset.done $0x0  }
0x95: {  	s16 =	sld [smem:$0x10];
	[sflag:s15] =	ssyncadd.s32 $0xFFFFFFFF  }
0x96: {  	s17 =	sld [smem:$0x11];
	(tm) =	ssettm $0x1  }
0x97: {  	s18 =	sld [smem:$0x3FFB];
	_ =	sdelay $0x3  }
0x98: {  	_ =	strace s18  }
0x99: {  	s4 =	sld [smem:$0x3FFC];
	_ =	sdelay $0x3  }
0x9a: {  	_ =	strace s4  }
0x9b: {  	s4 =	sld [smem:$0x3FFD];
	_ =	sdelay $0x3  }
0x9c: {  	_ =	strace s4  }
0x9d: {  	_ =	strace $0x8FFFFFFF  }
0x9e: {  	s19 =	sld [smem:$0x3FDB];
	_ =	sdelay $0x1  }
0x9f: {  	s5 =	simm.s32 $_scs_section_size  }
0xa0: {  	s6 =	simm.s32 $_size__tile_overlayer_lowered;
	s7 =	simm.s32 $_tile_overlayer_lowered  }
0xa1: {  	s22 =	simm.s32 $0x1BFF;
	s21 =	sshll.u32 s7, $0x1;
	s4 =	sadd.s32 s5, s19  }
0xa2: {  	s8 =	simm.s32 $0x0;
	s20 =	sshll.u32 s6, $0x1;
	s6 =	sadd.s32 s21, s4  }
0xa3: {  	[timem:s8], [sflag:s22] =	dma.local [hbm:s6], s20  }
0xa4: {  	_ =	swait.ge [sflag:s22], s20  }
0xa5: {  	s5 =	ssub.s32 $0x0, s20;
	[sflag:s22] =	ssyncset.done $0x0  }
0xa6: {  	[sflag:s22] =	ssyncadd.s32 s5;
	_ =	sdelay $0x1  }
0xa7: {  	s23 =	simm.s32 $0x1B8B  }
0xa8: {  	_ =	swait.ge [sflag:s23], $0x1  }
0xa9: {  	[sflag:s23] =	ssyncset.done $0x0  }
0xaa: {  	s25 =	simm.s32 $0x1B8E;
	s24 =	sld [smem:$0x3FFE];
	[sflag:s23] =	ssyncadd.s32 $0xFFFFFFFF  }
0xab: {  	s26 =	simm.s32 $execute0_lowered;
	[smem:$0x3FD2] =	sst s25  }
0xac: {  	s6 =	sshll.u32 s26, $0x1;
	_ =	strace $0x80000049;
	[dreg:$0x1] =	wrdreg $0xFFFFFFFF  }
0xad: {  	s28 =	simm.s32 $_size_execute0_lowered;
	s4 =	sadd.s32 s4, s6;
	[dreg:$0x0] =	wrdreg $0x0  }
0xae: {  	s6 =	sshll.u32 s28, $0x1;
	[dreg:$0x2] =	wrdreg s4  }
0xaf: {  	[dreg:$0x3] =	wrdreg s6  }
0xb0: {  	[dreg:$0x4] =	wrdreg $0xC0  }
0xb1: {  	_ =	task [dreg:s8], $0x5FFFF  }
0xb2: {  	[dreg:$0x1] =	wrdreg $0xFFFFFFFF  }
0xb3: {  	[dreg:$0x0] =	wrdreg $0x60  }
0xb4: {  	[dreg:$0x2] =	wrdreg s24  }
0xb5: {  	[dreg:$0x3] =	wrdreg s16  }
0xb6: {  	[dreg:$0x4] =	wrdreg s17  }
0xb7: {  	[dreg:$0x5] =	wrdreg $0xC0000  }
0xb8: {  	[dreg:$0x6] =	wrdreg $0x9  }
0xb9: {  	_ =	task.clear_ibuf [dreg:s8], $0x7FFFF;
	_ =	strace $0x90000049  }
0xba: {  	s29 =	simm.s32 $0x9;
	_ =	strace $0x8000004B  }
0xbb: {  	_ =	swait.ge [sflag:s29], $0x1  }
0xbc: {  	[sflag:s29] =	ssyncadd.s32 $0xFFFFFFFF  }
0xbd: {  	_ =	strace $0x9000004B  }
0xbe: {  	_ =	sfence  }
0xbf: {  	s30 =	sld [smem:$0x0];
	_ =	sdelay $0x2  }
0xc0: {  	s31 =	sshll.u32 s1, $0xD;
	s1 =	sshrl.u32 s1, $0x2  }
0xc1: {  	s3 =	sand.u32 $0x4000, s31;
	s1 =	sadd.s32 s1, s30  }
0xc2: {  	s0 =	sor.u32 s3, s0;
	s1 =	sshll.u32 s1, $0x11  }
0xc3: {  	s0 =	sor.u32 s1, s0  }
0xc4: {  	s0 =	sadd.s32 $0x8F2B, s0  }
0xc5: {  	[sflag:s0] =	ssyncadd.remote.s32 $0x1  }
0xc6: {  	_ =	sfence.sel $0xFFFF  }
0xc7: {  	[dreg:$0x0] =	wrdreg $0xFFFFFFFF;
	(pc) =	sbr.abs _section_cstart, $3  }
0xc8: {  	[dreg:$0x1] =	wrdreg $0xFFFFFFFF  }
0xc9: {  	_ =	task.clear_ibuf [dreg:s8], $0x2FFFF;
	_ =	strace $0x9FFFFFFF  }
0xca: {  	(tm) =	ssettm $0x7FFFFFFF  }
0xcb: {  	_ =	shalt  }
tec
execute0_lowered:
.L_overlay_start_1:
0x0: {  	(tag) =	ssettag $0x1  }
0x1: {  	s5 =	rddreg [dreg:$0x0]  }
0x2: {  	s7 =	rddreg [dreg:$0x1]  }
0x3: {  	s9 =	rddreg [dreg:$0x2];
	s1 =	srdreg.scid  }
0x4: {  	s0 =	stileid.u32;
	s2 =	rddreg [dreg:$0x3]  }
0x5: {  	s3 =	simm.s32 $0x0;
	s15 =	simm.s32 $0x5100;
	s16 =	simm.s32 $0x1  }
0x6: {  	s6 =	sand.u32 $0x1, s1;
	s4 =	sshll.u32 s0, $0x1;
	s12 =	smul.u32 $0x4F00, s0  }
0x7: {  	s1 =	rddreg [dreg:$0x4];
	s4 =	sor.u32 s6, s4;
	s14 =	smul.u32 $0x4F000, s6  }
0x8: {  	s17 =	simm.s32 $0x0;
	[smem:$0x7FF] =	sst s3;
	s8 =	smul.u32 $0x520, s4  }
0x9: {  	_ =	strace $0x8000004A;
	s11 =	ssub.s32 $0x2, s6;
	s10 =	smul.u32 $0x500, s4  }
0xa: {  	s4 =	sadd.s32 $0x1E00, s5;
	s13 =	sshrl.u32 s11, $0x1;
	s30 =	sshrl.u32 s12, $0x3  }
0xb: {  	s29 =	ssub.s32 s11, s13;
	s31 =	sadd.s32 s12, s14;
	s7 =	sadd.s32 s7, s30  }
0xc: {  	s13 =	simm.s32 $0x7100;
	s14 =	simm.s32 $0x80;
	s8 =	sadd.s32 s8, s5  }
0xd: {  	s28 =	sadd.s32 s10, s5;
	s11 =	sshrl.u32 s31, $0x3;
	s10 =	smax.u32 s29, $0x1  }
0xe: {  	s5 =	sadd.s32 $0x15800, s8;
	s6 =	sadd.s32 $0x1FC00, s28;
	s8 =	sadd.s32 s12, s2  }
0xf: {  	s9 =	sadd.s32 s9, s11;
	s11 =	simm.s32 $0x2;
	s12 =	simm.s32 $0x2900  }
.LBB2_1:
0x10: {  	[tilespmem:s3], [sflag:$0x2] =	stream.linear.gather [hbm4b:s5+s3], $0x2900, $0x38;
	[tilespmem:$0x10F00] =	vst v63  }
0x11: {  	_ =	swait.ge [sflag:s11], $0x2900  }
0x12: {  	[sflag:s11] =	ssyncset.done $0x0  }
0x13: {  	[sflag:s11] =	ssyncadd.s32 $0xFFFFD700  }
0x14: {  	[tilespmem:s12], [sflag:$0x2] =	stream.linear.gather [hbm4b:s6+s3], $0x2800, $0x38;
	[tilespmem:$0x10F00] =	vst v63  }
0x15: {  	_ =	swait.ge [sflag:s11], $0x2800  }
0x16: {  	[sflag:s11] =	ssyncset.done $0x0  }
0x17: {  	[sflag:s11] =	ssyncadd.s32 $0xFFFFD800  }
0x18: {  	[tilespmem:s13], [sflag:$0x2] =	stream.linear.gather [hbm4b:s7+s3], $0x4F00, $0x38;
	[tilespmem:$0x10F00] =	vst v63  }
0x19: {  	_ =	swait.ge [sflag:s11], $0x4F00  }
0x1a: {  	[sflag:s11] =	ssyncset.done $0x0  }
0x1b: {  	[sflag:s11] =	ssyncadd.s32 $0xFFFFB100  }
0x1c: {  	[spmem:s8] =	stream.linear.scatter [tilespmem:s13], [sflag:$0x2], $0x4F00, $0x38;
	[tilespmem:$0x10F00] =	vst v63  }
0x1d: {  	_ =	swait.ge [sflag:s11], $0x4F00  }
0x1e: {  	[sflag:s11] =	ssyncset.done $0x0  }
0x1f: {  	[sflag:s11] =	ssyncadd.s32 $0xFFFFB100  }
0x20: {  	s18 =	simm.s32 $0x0;
	[bflag:$0x0] =	sbarrier.arrive $0xFFFF  }
0x21: {  	[tilespmem:s15], [sflag:$0x1] =	stream.indirect.gather [hbm4b:s4+s14], $0x20, s18, s14, $0xb8;
	[tilespmem:$0x10F00] =	vst v63  }
0x22: {  	_ =	swait.ge [sflag:s16], $0x1000  }
0x23: {  	[sflag:s16] =	ssyncset.done $0x0  }
0x24: {  	s31 =	simm.s32 $0x2900;
	[sflag:s16] =	ssyncadd.s32 $0xFFFFF000  }
0x25: {  	[spmem:s2] =	stream.indirect.scatter.add.f32 [tilespmem:s15], [sflag:$0x2], $0x20, s31, s14, $0xb8;
	[tilespmem:$0x10F00] =	vst v63  }
0x26: {  	_ =	swait.ge [sflag:s11], $0x1000  }
0x27: {  	s19 =	simm.s32 $0x400;
	s18 =	simm.s32 $0x200;
	[sflag:s11] =	ssyncset.done $0x0  }
.LBB2_2:
0x28: {  	s20 =	sshra.s32 s18, $0x2  }
0x29: {  	[sflag:s11] =	ssyncadd.s32 $0xFFFFF000;
	s18 =	smov.u32 s19;
	s21 =	sadd.s32 $0x200, s19  }
0x2a: {  	[tilespmem:s15], [sflag:$0x1] =	stream.indirect.gather [hbm4b:s4+s14], $0x20, s20, s14, $0xb8;
	[tilespmem:$0x10F00] =	vst v63  }
0x2b: {  	p0 =	sne.s32 s19, $0x9E00;
	_ =	swait.ge [sflag:s16], $0x1000  }
.Ltmp0:
0x2c: {  	[sflag:s16] =	ssyncset.done $0x0;
	(pc) =	sbr.rel @p0 .LBB2_2-.Ltmp0, $4  }
0x2d: {  	s19 =	sadd.s32 $0x2900, s20;
	[sflag:s16] =	ssyncadd.s32 $0xFFFFF000  }
0x2e: {  	[spmem:s2] =	stream.indirect.scatter.add.f32 [tilespmem:s15], [sflag:$0x2], $0x20, s19, s14, $0xb8;
	[tilespmem:$0x10F00] =	vst v63  }
0x2f: {  	_ =	swait.ge [sflag:s11], $0x1000  }
0x30: {  	s19 =	smov.u32 s21;
	[sflag:s11] =	ssyncset.done $0x0  }
0x31: {  	s18 =	sshra.s32 s18, $0x2;
	[sflag:s11] =	ssyncadd.s32 $0xFFFFF000  }
0x32: {  	[tilespmem:s15], [sflag:$0x1] =	stream.indirect.gather [hbm4b:s4+s14], $0x20, s18, s14, $0xb8;
	[tilespmem:$0x10F00] =	vst v63  }
0x33: {  	_ =	swait.ge [sflag:s16], $0x1000  }
0x34: {  	[sflag:s16] =	ssyncset.done $0x0  }
0x35: {  	s18 =	sadd.s32 $0x2900, s18;
	[sflag:s16] =	ssyncadd.s32 $0xFFFFF000  }
0x36: {  	[spmem:s2] =	stream.indirect.scatter.add.f32 [tilespmem:s15], [sflag:$0x2], $0x20, s18, s14, $0xb8;
	[tilespmem:$0x10F00] =	vst v63  }
0x37: {  	_ =	swait.ge [sflag:s11], $0x1000  }
0x38: {  	[sflag:s11] =	ssyncset.done $0x0  }
0x39: {  	[sflag:s11] =	ssyncadd.s32 $0xFFFFF000  }
0x3a: {  	[bflag:$0x0] =	sbarrier.arrive $0xFFFF  }
0x3b: {  	[tilespmem:s13], [sflag:$0x2] =	stream.linear.gather [spmem:s8], $0x4F00, $0x38;
	[tilespmem:$0x10F00] =	vst v63  }
0x3c: {  	s17 =	sadd.s32 $0x1, s17;
	_ =	swait.ge [sflag:s11], $0x4F00  }
0x3d: {  	p0 =	sne.s32 s17, s10;
	[sflag:s11] =	ssyncset.done $0x0  }
.Ltmp1:
0x3e: {  	[sflag:s11] =	ssyncadd.s32 $0xFFFFB100;
	(pc) =	sbr.rel @p0 .LBB2_1-.Ltmp1, $4  }
0x3f: {  	[hbm4b:s9+s3] =	stream.linear.scatter [tilespmem:s13], [sflag:$0x2], $0x4F00, $0x38;
	[tilespmem:$0x10F00] =	vst v63  }
0x40: {  	_ =	swait.ge [sflag:s11], $0x4F00  }
0x41: {  	[sflag:s11] =	ssyncset.done $0x0  }
0x42: {  	[sflag:s11] =	ssyncadd.s32 $0xFFFFB100  }
0x43: {  	_ =	sfence.sel $0x180000  }
0x44: {  	[bflag:$0x0] =	sbarrier.arrive $0xFFFF  }
0x45: {  	p0 =	sne.s32 s0, $0x0;
	_ =	strace $0x9000004A  }
0x46: {  	s0 =	sadd.s32 @!p0 $0x100000, s1;
	[bflag:$0x2] =	sbarrier.arrive $0xFFFF  }
0x47: {  	[sflag:s0] =	ssyncadd.tile.s32 @!p0 $0x1;
	_ =	shalt  }
.Lfunc_end2:
_tile_overlayer_lowered:
.L_overlay_start_2:
0x48: {  	(tag) =	ssettag $0x2  }
0x49: {  	s0 =	rddreg [dreg:$0x0];
	s2 =	stileid.u32  }
0x4a: {  	s1 =	rddreg [dreg:$0x1];
	p0 =	sne.s32 s2, $0x0  }
0x4b: {  	s3 =	rddreg [dreg:$0x2];
	[bflag:$0x3] =	sbarrier.arrive $0xFFFF;
	s2 =	simm.s32 @!p0 $0x1C02  }
0x4c: {  	[timem:s3], [sflag:s2] =	dma.local @!p0 [hbm:s0], s1  }
0x4d: {  	s0 =	simm.s32 @!p0 $0x2  }
0x4e: {  	_ =	swait.ge @!p0 [sflag:s0], s1  }
0x4f: {  	s1 =	ssub.s32 @!p0 $0x0, s1;
	[sflag:s0] =	ssyncset.done @!p0 $0x0  }
0x50: {  	[sflag:s0] =	ssyncadd.s32 @!p0 s1  }
0x51: {  	[bflag:$0x3] =	sbarrier.arrive $0xFFFF  }
0x52: {  	_ =	shalt  }

// kernel: seg_sum_sc_d64.3.cloned.1.call-start
scs
__scs_entry_jumppad:
0x0: {  	(pc) =	sbr.rel $0x88, $3  }
0x1: {  	(tag) =	ssettag $0x0;
	lr =	simm.s32 $0x1  }
0x2: {  	[smem:$0x3F97] =	sst lr;
	_ =	strace $0xD0000000  }
0x3: {  	_ = 	snop  }
0x4: {  	_ = 	snop  }
0x5: {  	_ = 	snop  }
0x6: {  	_ = 	snop  }
0x7: {  	_ = 	snop  }
__scs_overlays_trampoline_lowered:
0x8: {  	[smem:$0x3FA6] =	sst s0  }
0x9: {  	[smem:$0x3FA7] =	sst s1  }
0xa: {  	[smem:$0x3FA8] =	sst s2  }
0xb: {  	[smem:$0x3FA9] =	sst s3  }
0xc: {  	[smem:$0x3FAA] =	sst s4  }
0xd: {  	[smem:$0x3FAB] =	sst s5  }
0xe: {  	[smem:$0x3FAC] =	sst s6  }
0xf: {  	[smem:$0x3FAD] =	sst s7  }
0x10: {  	[smem:$0x3FAE] =	sst s8  }
0x11: {  	[smem:$0x3FAF] =	sst s9;
	s0 =	simm.s32 @!p0 $0x0  }
0x12: {  	s1 =	sld [smem:$0x3F95];
	s0 =	simm.s32 @p0 $0x1  }
0x13: {  	[smem:$0x3FB0] =	sst s0;
	s0 =	simm.s32 @!p1 $0x0  }
0x14: {  	s2 =	sld [smem:$0x3F94];
	s0 =	simm.s32 @p1 $0x1  }
0x15: {  	[smem:$0x3FB1] =	sst s0;
	s0 =	simm.s32 @!p2 $0x0  }
0x16: {  	s3 =	sld [smem:$0x3FDB];
	s0 =	simm.s32 @p2 $0x1  }
0x17: {  	s4 =	simm.s32 $0x1BF5;
	[smem:$0x3FB3] =	sst s0  }
0x18: {  	s0 =	sld [smem:$0x3F96];
	_ =	swait.ge [sflag:s4], $0x0  }
0x19: {  	s7 =	sld [smem:$0x3F97]  }
0x1a: {  	s8 =	sadd.s32 $0xFFFFE003, lr  }
0x1b: {  	s9 =	sadd.s32 $0xFFFFFEF7, lr;
	s5 =	simm.s32 $0xFFFFFFFF;
	p2 =	slt.u32 s8, $0xFFFFF086  }
0x1c: {  	p1 =	slt.u32 s9, $0xF7A;
	s5 =	simm.s32 @!p2 $0x0  }
0x1d: {  	s5 =	simm.s32 @p1 $0x1;
	p0 =	seq.s32 s7, s2  }
0x1e: {  	s7 =	smul.u32 @!p0 $0xF7A, s2;
	p2 =	seq.s32 @!p0 s5, $0x0  }
0x1f: {  	s9 =	smul.u32 $0xF7A, s1;
	s8 =	simm.s32 @!p0 $0x1BF5;
	p2 =	por !p2, p0  }
0x20: {  	[sflag:s8] =	ssyncset.s32 @!p0 $0xFFFFF086;
	s6 =	sadd.s32 @!p0 s3, s7;
	s7 =	simm.s32 @!p0 $0x108  }
0x21: {  	s3 =	sadd.s32 s3, s9;
	s6 =	sadd.s32 @!p0 $0x88, s6;
	s7 =	simm.s32 @p2 $0x1082  }
0x22: {  	[simem:s7], [sflag:s8] =	dma.local @!p0 [hbm:s6], $0xF7A  }
0x23: {  	s9 =	sor.u32 $0xD0000000, s2;
	s6 =	simm.s32 $0x108;
	_ =	swait.ge @!p0 [sflag:s8], $0x0  }
0x24: {  	s3 =	sadd.s32 $0x88, s3;
	s6 =	simm.s32 @!p1 $0x1082;
	[sflag:s4] =	ssyncset.s32 $0xFFFFF086  }
0x25: {  	[simem:s6], [sflag:s4] =	dma.local [hbm:s3], $0xF7A  }
0x26: {  	[smem:$0x3F97] =	sst s1;
	(tag) =	ssettag s2;
	_ =	strace s9  }
0x27: {  	s1 =	sld [smem:$0x3FA7]  }
0x28: {  	s2 =	sld [smem:$0x3FA8]  }
0x29: {  	s4 =	sld [smem:$0x3FAA]  }
0x2a: {  	p0 =	seq.s32 s5, $0x0;
	s5 =	sld [smem:$0x3FAB]  }
0x2b: {  	s6 =	sld [smem:$0x3FAC]  }
0x2c: {  	s7 =	sld [smem:$0x3FAD]  }
0x2d: {  	s3 =	simm.s32 $0x108;
	s8 =	sld [smem:$0x3FAE]  }
0x2e: {  	s3 =	simm.s32 @!p0 $0x1082;
	s9 =	sld [smem:$0x3FAF]  }
0x2f: {  	lr =	sadd.s32 s0, s3;
	s0 =	sld [smem:$0x3FA6]  }
0x30: {  	s3 =	sld [smem:$0x3FA9]  }
0x31: {  	[smem:$0x3FB2] =	sst s10  }
0x32: {  	s10 =	sld [smem:$0x3FB0];
	_ =	sdelay $0x3  }
0x33: {  	p0 =	seq.s32 s10, $0x1;
	s10 =	sld [smem:$0x3FB2];
	_ =	sdelay $0x3  }
0x34: {  	[smem:$0x3FB2] =	sst s10  }
0x35: {  	s10 =	sld [smem:$0x3FB1];
	_ =	sdelay $0x3  }
0x36: {  	p1 =	seq.s32 s10, $0x1;
	s10 =	sld [smem:$0x3FB2];
	_ =	sdelay $0x3  }
0x37: {  	[smem:$0x3FB2] =	sst s10  }
0x38: {  	s10 =	sld [smem:$0x3FB3]  }
0x39: {  	_ = 	snop;
	(pc) =	sbr.ind lr, $3  }
0x3a: {  	_ = 	snop  }
0x3b: {  	_ = 	snop  }
0x3c: {  	p2 =	seq.s32 s10, $0x1;
	s10 =	sld [smem:$0x3FB2]  }
0x3d: {  	_ =	shalt  }
0x3e: {  	_ =	shalt  }
0x3f: {  	_ =	shalt  }
0x40: {  	_ =	shalt  }
0x41: {  	_ =	shalt  }
0x42: {  	_ =	shalt  }
0x43: {  	_ =	shalt  }
0x44: {  	_ =	shalt  }
0x45: {  	_ =	shalt  }
0x46: {  	_ =	shalt  }
0x47: {  	_ =	shalt  }
0x48: {  	_ =	shalt  }
0x49: {  	_ =	shalt  }
0x4a: {  	_ =	shalt  }
0x4b: {  	_ =	shalt  }
0x4c: {  	_ =	shalt  }
0x4d: {  	_ =	shalt  }
0x4e: {  	_ =	shalt  }
0x4f: {  	_ =	shalt  }
0x50: {  	_ =	shalt  }
0x51: {  	_ =	shalt  }
0x52: {  	_ =	shalt  }
0x53: {  	_ =	shalt  }
0x54: {  	_ =	shalt  }
0x55: {  	_ =	shalt  }
0x56: {  	_ =	shalt  }
0x57: {  	_ =	shalt  }
0x58: {  	_ =	shalt  }
0x59: {  	_ =	shalt  }
0x5a: {  	_ =	shalt  }
0x5b: {  	_ =	shalt  }
0x5c: {  	_ =	shalt  }
0x5d: {  	_ =	shalt  }
0x5e: {  	_ =	shalt  }
0x5f: {  	_ =	shalt  }
0x60: {  	_ =	shalt  }
0x61: {  	_ =	shalt  }
0x62: {  	_ =	shalt  }
0x63: {  	_ =	shalt  }
0x64: {  	_ =	shalt  }
0x65: {  	_ =	shalt  }
0x66: {  	_ =	shalt  }
0x67: {  	_ =	shalt  }
0x68: {  	_ =	shalt  }
0x69: {  	_ =	shalt  }
0x6a: {  	_ =	shalt  }
0x6b: {  	_ =	shalt  }
0x6c: {  	_ =	shalt  }
0x6d: {  	_ =	shalt  }
0x6e: {  	_ =	shalt  }
0x6f: {  	_ =	shalt  }
0x70: {  	_ =	shalt  }
0x71: {  	_ =	shalt  }
0x72: {  	_ =	shalt  }
0x73: {  	_ =	shalt  }
0x74: {  	_ =	shalt  }
0x75: {  	_ =	shalt  }
0x76: {  	_ =	shalt  }
0x77: {  	_ =	shalt  }
0x78: {  	_ =	shalt  }
0x79: {  	_ =	shalt  }
0x7a: {  	_ =	shalt  }
0x7b: {  	_ =	shalt  }
0x7c: {  	_ =	shalt  }
0x7d: {  	_ =	shalt  }
0x7e: {  	_ =	shalt  }
0x7f: {  	_ =	shalt  }
0x80: {  	_ =	shalt  }
0x81: {  	_ =	shalt  }
0x82: {  	_ =	shalt  }
0x83: {  	_ =	shalt  }
0x84: {  	_ =	shalt  }
0x85: {  	_ =	shalt  }
0x86: {  	_ =	shalt  }
0x87: {  	_ =	shalt  }
.Lfunc_end0:
.L_simem_size_0:
called_computation_lowered:
.L_overlay_start_0:
0x88: {  	s2 =	sld [smem:$0x3FD9]  }
0x89: {  	s3 =	sld [smem:$0x3FFE];
	_ =	sdelay $0x1  }
0x8a: {  	s1 =	srdreg.scid  }
0x8b: {  	s0 =	sand.u32 $0x1, s1  }
0x8c: {  	s14 =	sshll.u32 s0, $0xA;
	s2 =	sadd.s32 s3, s2  }
0x8d: {  	s2 =	sadd.s32 s2, s14  }
0x8e: {  	[smem:$0x3FBE] =	sst s2  }
0x8f: {  	_ = 	snop  }
0x90: {  	s2 =	sld [smem:$0x3FD0];
	_ =	sdelay $0x2  }
0x91: {  	s15 =	simm.s32 $0xA;
	s4 =	simm.s32 $0x10  }
0x92: {  	[smem:s4], [sflag:s15] =	dma.local [hbm:s2], $0x1  }
0x93: {  	_ =	swait.eq [sflag:s15], $0x1  }
0x94: {  	[sflag:s15] =	ssyncset.done $0x0  }
0x95: {  	s16 =	sld [smem:$0x10];
	[sflag:s15] =	ssyncadd.s32 $0xFFFFFFFF  }
0x96: {  	s17 =	sld [smem:$0x11];
	(tm) =	ssettm $0x1  }
0x97: {  	s18 =	sld [smem:$0x3FFB];
	_ =	sdelay $0x3  }
0x98: {  	_ =	strace s18  }
0x99: {  	s4 =	sld [smem:$0x3FFC];
	_ =	sdelay $0x3  }
0x9a: {  	_ =	strace s4  }
0x9b: {  	s4 =	sld [smem:$0x3FFD];
	_ =	sdelay $0x3  }
0x9c: {  	_ =	strace s4  }
0x9d: {  	_ =	strace $0x8FFFFFFF  }
0x9e: {  	s19 =	sld [smem:$0x3FDB];
	_ =	sdelay $0x1  }
0x9f: {  	s5 =	simm.s32 $_scs_section_size  }
0xa0: {  	s6 =	simm.s32 $_size__tile_overlayer_lowered;
	s7 =	simm.s32 $_tile_overlayer_lowered  }
0xa1: {  	s22 =	simm.s32 $0x1BFF;
	s21 =	sshll.u32 s7, $0x1;
	s4 =	sadd.s32 s5, s19  }
0xa2: {  	s8 =	simm.s32 $0x0;
	s20 =	sshll.u32 s6, $0x1;
	s6 =	sadd.s32 s21, s4  }
0xa3: {  	[timem:s8], [sflag:s22] =	dma.local [hbm:s6], s20  }
0xa4: {  	_ =	swait.ge [sflag:s22], s20  }
0xa5: {  	s5 =	ssub.s32 $0x0, s20;
	[sflag:s22] =	ssyncset.done $0x0  }
0xa6: {  	[sflag:s22] =	ssyncadd.s32 s5;
	_ =	sdelay $0x1  }
0xa7: {  	s23 =	simm.s32 $0x1B8B  }
0xa8: {  	_ =	swait.ge [sflag:s23], $0x1  }
0xa9: {  	[sflag:s23] =	ssyncset.done $0x0  }
0xaa: {  	s25 =	simm.s32 $0x1B8E;
	s24 =	sld [smem:$0x3FFE];
	[sflag:s23] =	ssyncadd.s32 $0xFFFFFFFF  }
0xab: {  	s26 =	simm.s32 $execute0_lowered;
	[smem:$0x3FD2] =	sst s25  }
0xac: {  	s6 =	sshll.u32 s26, $0x1;
	_ =	strace $0x80000046;
	[dreg:$0x1] =	wrdreg $0xFFFFFFFF  }
0xad: {  	s28 =	simm.s32 $_size_execute0_lowered;
	s4 =	sadd.s32 s4, s6;
	[dreg:$0x0] =	wrdreg $0x0  }
0xae: {  	s6 =	sshll.u32 s28, $0x1;
	[dreg:$0x2] =	wrdreg s4  }
0xaf: {  	[dreg:$0x3] =	wrdreg s6  }
0xb0: {  	[dreg:$0x4] =	wrdreg $0xC0  }
0xb1: {  	_ =	task [dreg:s8], $0x5FFFF  }
0xb2: {  	[dreg:$0x1] =	wrdreg $0xFFFFFFFF  }
0xb3: {  	[dreg:$0x0] =	wrdreg $0x60  }
0xb4: {  	[dreg:$0x2] =	wrdreg s24  }
0xb5: {  	[dreg:$0x3] =	wrdreg s17  }
0xb6: {  	[dreg:$0x4] =	wrdreg s16  }
0xb7: {  	[dreg:$0x5] =	wrdreg $0x12F000  }
0xb8: {  	[dreg:$0x6] =	wrdreg $0x1F7780  }
0xb9: {  	[dreg:$0x7] =	wrdreg $0x9  }
0xba: {  	_ =	task.clear_ibuf [dreg:s8], $0x8FFFF;
	_ =	strace $0x90000046  }
0xbb: {  	s29 =	simm.s32 $0x9;
	_ =	strace $0x80000048  }
0xbc: {  	_ =	swait.ge [sflag:s29], $0x1  }
0xbd: {  	[sflag:s29] =	ssyncadd.s32 $0xFFFFFFFF  }
0xbe: {  	_ =	strace $0x90000048  }
0xbf: {  	_ =	sfence  }
0xc0: {  	s30 =	sld [smem:$0x0];
	_ =	sdelay $0x2  }
0xc1: {  	s31 =	sshll.u32 s1, $0xD;
	s1 =	sshrl.u32 s1, $0x2  }
0xc2: {  	s3 =	sand.u32 $0x4000, s31;
	s1 =	sadd.s32 s1, s30  }
0xc3: {  	s0 =	sor.u32 s3, s0;
	s1 =	sshll.u32 s1, $0x11  }
0xc4: {  	s0 =	sor.u32 s1, s0  }
0xc5: {  	s0 =	sadd.s32 $0x8F2B, s0  }
0xc6: {  	[sflag:s0] =	ssyncadd.remote.s32 $0x1  }
0xc7: {  	_ =	sfence.sel $0xFFFF  }
0xc8: {  	[dreg:$0x0] =	wrdreg $0xFFFFFFFF;
	(pc) =	sbr.abs _section_cstart, $3  }
0xc9: {  	[dreg:$0x1] =	wrdreg $0xFFFFFFFF  }
0xca: {  	_ =	task.clear_ibuf [dreg:s8], $0x2FFFF;
	_ =	strace $0x9FFFFFFF  }
0xcb: {  	(tm) =	ssettm $0x7FFFFFFF  }
tec
execute0_lowered:
.L_overlay_start_1:
0x0: {  	(tag) =	ssettag $0x1  }
0x1: {  	s6 =	rddreg [dreg:$0x0]  }
0x2: {  	s9 =	rddreg [dreg:$0x1]  }
0x3: {  	s11 =	rddreg [dreg:$0x2]  }
0x4: {  	s1 =	rddreg [dreg:$0x3]  }
0x5: {  	s2 =	rddreg [dreg:$0x4]  }
0x6: {  	s0 =	rddreg [dreg:$0x5];
	s3 =	simm.s32 $0x0;
	s4 =	srdreg.scid  }
0x7: {  	s23 =	stileid.u32;
	s18 =	simm.s32 $0x1CD80;
	s19 =	simm.s32 $0x80  }
0x8: {  	s20 =	simm.s32 $0x5100;
	s21 =	simm.s32 $0x1;
	s22 =	simm.s32 $0x1CD00  }
0x9: {  	s14 =	sand.u32 $0x1, s4;
	s28 =	sshll.u32 s23, $0x1;
	s10 =	smul.u32 $0x9E00, s23  }
0xa: {  	[smem:$0x7FF] =	sst s3;
	s4 =	sadd.s32 $0x1E00, s6;
	s30 =	smul.u32 $0x278, s23  }
0xb: {  	p0 =	seq.s32 s23, $0x0;
	s5 =	sor.u32 s14, s28;
	s7 =	smul.u32 $0x9E000, s14  }
0xc: {  	_ =	strace $0x80000047;
	s12 =	ssub.s32 $0x2, s14;
	s8 =	smul.u32 $0x520, s5  }
0xd: {  	p1 =	seq.s32 s14, $0x1;
	s24 =	sor.u32 s14, s23;
	s5 =	smul.u32 $0x500, s5  }
0xe: {  	s29 =	sshrl.u32 s12, $0x1;
	s17 =	sshrl.u32 s10, $0x3;
	s31 =	sshrl.u32 s30, $0x3  }
0xf: {  	p0 =	por !p0, !p1;
	p1 =	sne.s32 s23, $0x0;
	p2 =	sne.s32 s24, $0x0  }
0x10: {  	s23 =	simm.s32 $0x0;
	s7 =	sadd.s32 s10, s7;
	s16 =	ssub.s32 s12, s29  }
0x11: {  	s9 =	sadd.s32 s9, s17;
	s10 =	sadd.s32 s10, s1;
	s11 =	sadd.s32 s11, s31  }
0x12: {  	s12 =	sadd.s32 s30, s2;
	p0 =	por !p0, !p0;
	s17 =	simm.s32 $0x9100  }
0x13: {  	s8 =	sadd.s32 s8, s6;
	s7 =	sshrl.u32 s7, $0x3;
	s13 =	sadd.s32 s5, s6  }
0x14: {  	s5 =	sadd.s32 $0x51A00, s6;
	s14 =	smax.u32 s16, $0x1;
	s16 =	simm.s32 $0x2900  }
0x15: {  	s15 =	sadd.s32 s7, s6;
	s6 =	sadd.s32 $0x51400, s6;
	s7 =	sadd.s32 $0x15800, s8  }
0x16: {  	v0 =	vimm.f32 $1.000000000e+00;
	s8 =	sadd.s32 $0x1FC00, s13;
	s13 =	sadd.s32 $0x29C00, s15;
	s15 =	simm.s32 $0x2  }
.LBB2_1:
0x17: {  	[tilespmem:s3], [sflag:$0x2] =	stream.linear.gather [hbm4b:s7+s3], $0x2900, $0x38;
	[tilespmem:$0x1F9F0] =	vst v63  }
0x18: {  	_ =	swait.ge [sflag:s15], $0x2900  }
0x19: {  	[sflag:s15] =	ssyncset.done $0x0  }
0x1a: {  	[sflag:s15] =	ssyncadd.s32 $0xFFFFD700  }
0x1b: {  	[tilespmem:s16], [sflag:$0x2] =	stream.linear.gather [hbm4b:s8+s3], $0x2800, $0x38;
	[tilespmem:$0x1F9F0] =	vst v63  }
0x1c: {  	_ =	swait.ge [sflag:s15], $0x2800  }
0x1d: {  	[sflag:s15] =	ssyncset.done $0x0  }
0x1e: {  	[sflag:s15] =	ssyncadd.s32 $0xFFFFD800  }
0x1f: {  	[tilespmem:s17], [sflag:$0x2] =	stream.linear.gather [hbm4b:s9+s3], $0x9E00, $0x38;
	[tilespmem:$0x1F9F0] =	vst v63  }
0x20: {  	_ =	swait.ge [sflag:s15], $0x9E00  }
0x21: {  	[sflag:s15] =	ssyncset.done $0x0  }
0x22: {  	[sflag:s15] =	ssyncadd.s32 $0xFFFF6200  }
0x23: {  	[spmem:s10] =	stream.linear.scatter [tilespmem:s17], [sflag:$0x2], $0x9E00, $0x38;
	[tilespmem:$0x1F9F0] =	vst v63  }
0x24: {  	_ =	swait.ge [sflag:s15], $0x9E00  }
0x25: {  	[sflag:s15] =	ssyncset.done $0x0  }
0x26: {  	[sflag:s15] =	ssyncadd.s32 $0xFFFF6200  }
0x27: {  	[tilespmem:s18], [sflag:$0x2] =	stream.linear.gather [hbm4b:s11+s3], $0x278, $0x38;
	[tilespmem:$0x1F9F0] =	vst v63  }
0x28: {  	_ =	swait.ge [sflag:s15], $0x278  }
0x29: {  	[sflag:s15] =	ssyncset.done $0x0  }
0x2a: {  	[sflag:s15] =	ssyncadd.s32 $0xFFFFFD88  }
0x2b: {  	[spmem:s12] =	stream.linear.scatter [tilespmem:s18], [sflag:$0x2], $0x278, $0x38;
	[tilespmem:$0x1F9F0] =	vst v63  }
0x2c: {  	_ =	swait.ge [sflag:s15], $0x278  }
0x2d: {  	[sflag:s15] =	ssyncset.done $0x0  }
0x2e: {  	[sflag:s15] =	ssyncadd.s32 $0xFFFFFD88  }
0x2f: {  	[tilespmem:$0x1CD00] =	vst v0  }
0x30: {  	[tilespmem:$0x1CD10] =	vst v0  }
0x31: {  	[tilespmem:$0x1CD20] =	vst v0  }
0x32: {  	[tilespmem:$0x1CD30] =	vst v0  }
0x33: {  	[tilespmem:$0x1CD40] =	vst v0  }
0x34: {  	[tilespmem:$0x1CD50] =	vst v0  }
0x35: {  	[tilespmem:$0x1CD60] =	vst v0  }
0x36: {  	[tilespmem:$0x1CD70] =	vst v0  }
0x37: {  	s24 =	simm.s32 $0x0;
	[bflag:$0x0] =	sbarrier.arrive $0xFFFF  }
0x38: {  	[tilespmem:s20], [sflag:$0x1] =	stream.indirect.gather [hbm4b:s4+s19], $0x40, s24, s19, $0xb8;
	[tilespmem:$0x1F9F0] =	vst v63  }
0x39: {  	_ =	swait.ge [sflag:s21], $0x2000  }
0x3a: {  	[sflag:s21] =	ssyncset.done $0x0  }
0x3b: {  	s31 =	simm.s32 $0x2900;
	[sflag:s21] =	ssyncadd.s32 $0xFFFFE000  }
0x3c: {  	[spmem:s1] =	stream.indirect.scatter.add.f32 [tilespmem:s20], [sflag:$0x2], $0x40, s31, s19, $0xb8;
	[tilespmem:$0x1F9F0] =	vst v63  }
0x3d: {  	_ =	swait.ge [sflag:s15], $0x2000  }
0x3e: {  	[sflag:s15] =	ssyncset.done $0x0  }
0x3f: {  	[sflag:s15] =	ssyncadd.s32 $0xFFFFE000  }
0x40: {  	[spmem:s2] =	stream.indirect.scatter.add.f32 [tilespmem:s22], [sflag:$0x2], $0x1, s31, s19, $0xb8;
	[tilespmem:$0x1F9F0] =	vst v63  }
0x41: {  	_ =	swait.ge [sflag:s15], $0x80  }
0x42: {  	s25 =	simm.s32 $0x400;
	s24 =	simm.s32 $0x200;
	[sflag:s15] =	ssyncset.done $0x0  }
.LBB2_2:
0x43: {  	s26 =	sshra.s32 s24, $0x2  }
0x44: {  	[sflag:s15] =	ssyncadd.s32 $0xFFFFFF80;
	s24 =	smov.u32 s25;
	s28 =	sadd.s32 $0x200, s25  }
0x45: {  	[tilespmem:s20], [sflag:$0x1] =	stream.indirect.gather [hbm4b:s4+s19], $0x40, s26, s19, $0xb8;
	[tilespmem:$0x1F9F0] =	vst v63  }
0x46: {  	p3 =	sne.s32 s25, $0x9E00;
	_ =	swait.ge [sflag:s21], $0x2000  }
0x47: {  	[sflag:s21] =	ssyncset.done $0x0  }
0x48: {  	s25 =	sadd.s32 $0x2900, s26;
	[sflag:s21] =	ssyncadd.s32 $0xFFFFE000  }
0x49: {  	[spmem:s1] =	stream.indirect.scatter.add.f32 [tilespmem:s20], [sflag:$0x2], $0x40, s25, s19, $0xb8;
	[tilespmem:$0x1F9F0] =	vst v63  }
0x4a: {  	_ =	swait.ge [sflag:s15], $0x2000  }
.Ltmp0:
0x4b: {  	[sflag:s15] =	ssyncset.done $0x0;
	(pc) =	sbr.rel @p3 .LBB2_2-.Ltmp0, $4  }
0x4c: {  	[sflag:s15] =	ssyncadd.s32 $0xFFFFE000  }
0x4d: {  	[spmem:s2] =	stream.indirect.scatter.add.f32 [tilespmem:s22], [sflag:$0x2], $0x1, s25, s19, $0xb8;
	[tilespmem:$0x1F9F0] =	vst v63  }
0x4e: {  	_ =	swait.ge [sflag:s15], $0x80  }
0x4f: {  	s25 =	smov.u32 s28;
	[sflag:s15] =	ssyncset.done $0x0  }
0x50: {  	s24 =	sshra.s32 s24, $0x2;
	[sflag:s15] =	ssyncadd.s32 $0xFFFFFF80  }
0x51: {  	[tilespmem:s20], [sflag:$0x1] =	stream.indirect.gather [hbm4b:s4+s19], $0x40, s24, s19, $0xb8;
	[tilespmem:$0x1F9F0] =	vst v63  }
0x52: {  	_ =	swait.ge [sflag:s21], $0x2000  }
0x53: {  	[sflag:s21] =	ssyncset.done $0x0  }
0x54: {  	s24 =	sadd.s32 $0x2900, s24;
	[sflag:s21] =	ssyncadd.s32 $0xFFFFE000  }
0x55: {  	[spmem:s1] =	stream.indirect.scatter.add.f32 [tilespmem:s20], [sflag:$0x2], $0x40, s24, s19, $0xb8;
	[tilespmem:$0x1F9F0] =	vst v63  }
0x56: {  	_ =	swait.ge [sflag:s15], $0x2000  }
0x57: {  	[sflag:s15] =	ssyncset.done $0x0  }
0x58: {  	[sflag:s15] =	ssyncadd.s32 $0xFFFFE000  }
0x59: {  	[spmem:s2] =	stream.indirect.scatter.add.f32 [tilespmem:s22], [sflag:$0x2], $0x1, s24, s19, $0xb8;
	[tilespmem:$0x1F9F0] =	vst v63  }
0x5a: {  	_ =	swait.ge [sflag:s15], $0x80  }
0x5b: {  	[sflag:s15] =	ssyncset.done $0x0  }
0x5c: {  	[sflag:s15] =	ssyncadd.s32 $0xFFFFFF80  }
0x5d: {  	[bflag:$0x0] =	sbarrier.arrive $0xFFFF  }
0x5e: {  	[tilespmem:s17], [sflag:$0x2] =	stream.linear.gather [spmem:s10], $0x9E00, $0x38;
	[tilespmem:$0x1F9F0] =	vst v63  }
0x5f: {  	_ =	swait.ge [sflag:s15], $0x9E00  }
0x60: {  	[sflag:s15] =	ssyncset.done $0x0  }
0x61: {  	[sflag:s15] =	ssyncadd.s32 $0xFFFF6200  }
0x62: {  	[hbm4b:s13+s3] =	stream.linear.scatter [tilespmem:s17], [sflag:$0x2], $0x9E00, $0x38;
	[tilespmem:$0x1F9F0] =	vst v63  }
0x63: {  	_ =	swait.ge [sflag:s15], $0x9E00  }
0x64: {  	[sflag:s15] =	ssyncset.done $0x0  }
0x65: {  	s24 =	simm.s32 @!p1 $0x1CFF8;
	[sflag:s15] =	ssyncadd.s32 $0xFFFF6200  }
0x66: {  	[tilespmem:s24], [sflag:$0x2] =	stream.linear.gather @!p1 [spmem:s2], $0x2780, $0x38;
	[tilespmem:$0x1F9F0] =	vst v63  }
0x67: {  	s24 =	simm.s32 @!p1 $0x2  }
0x68: {  	_ =	swait.ge @!p1 [sflag:s24], $0x2780  }
0x69: {  	[sflag:s24] =	ssyncset.done @!p1 $0x0  }
0x6a: {  	s25 =	simm.s32 @!p2 $0x1CFF8;
	[sflag:s24] =	ssyncadd.s32 @!p1 $0xFFFFD880;
	s24 =	simm.s32 @!p2 $0x0  }
0x6b: {  	[hbm4b:s5+s24] =	stream.linear.scatter @!p2 [tilespmem:s25], [sflag:$0x2], $0x2780, $0x38;
	[tilespmem:$0x1F9F0] =	vst v63  }
0x6c: {  	s24 =	simm.s32 @!p2 $0x2  }
0x6d: {  	s23 =	sadd.s32 $0x1, s23;
	_ =	swait.ge @!p2 [sflag:s24], $0x2780  }
0x6e: {  	p3 =	sne.s32 s23, s14;
	[sflag:s24] =	ssyncset.done @!p2 $0x0  }
0x6f: {  	s25 =	simm.s32 @p0 $0x1CFF8;
	[sflag:s24] =	ssyncadd.s32 @!p2 $0xFFFFD880;
	s24 =	simm.s32 @p0 $0x0  }
0x70: {  	[hbm4b:s6+s24] =	stream.linear.scatter @p0 [tilespmem:s25], [sflag:$0x2], $0x2780, $0x38;
	[tilespmem:$0x1F9F0] =	vst v63  }
.Ltmp1:
0x71: {  	_ = 	snop;
	(pc) =	sbr.rel @p3 .LBB2_1-.Ltmp1, $4  }
0x72: {  	s24 =	simm.s32 @p0 $0x2  }
0x73: {  	_ =	swait.ge @p0 [sflag:s24], $0x2780  }
0x74: {  	[sflag:s24] =	ssyncset.done @p0 $0x0  }
0x75: {  	[sflag:s24] =	ssyncadd.s32 @p0 $0xFFFFD880  }
0x76: {  	_ =	sfence.sel $0x180000  }
0x77: {  	[bflag:$0x0] =	sbarrier.arrive $0xFFFF  }
0x78: {  	_ =	strace $0x90000047  }
0x79: {  	s0 =	sadd.s32 @!p1 $0x100000, s0;
	[bflag:$0x2] =	sbarrier.arrive $0xFFFF  }
0x7a: {  	[sflag:s0] =	ssyncadd.tile.s32 @!p1 $0x1;
	_ =	shalt  }
.Lfunc_end2:
_tile_overlayer_lowered:
.L_overlay_start_2:
0x7b: {  	(tag) =	ssettag $0x2  }
0x7c: {  	s0 =	rddreg [dreg:$0x0];
	s2 =	stileid.u32  }
0x7d: {  	s1 =	rddreg [dreg:$0x1];
	p0 =	sne.s32 s2, $0x0  }
0x7e: {  	s3 =	rddreg [dreg:$0x2];
	[bflag:$0x3] =	sbarrier.arrive $0xFFFF;
	s2 =	simm.s32 @!p0 $0x1C02  }
0x7f: {  	[timem:s3], [sflag:s2] =	dma.local @!p0 [hbm:s0], s1  }
0x80: {  	s0 =	simm.s32 @!p0 $0x2  }
0x81: {  	_ =	swait.ge @!p0 [sflag:s0], s1  }
0x82: {  	s1 =	ssub.s32 @!p0 $0x0, s1;
	[sflag:s0] =	ssyncset.done @!p0 $0x0  }
0x83: {  	[sflag:s0] =	ssyncadd.s32 @!p0 s1  }
0x84: {  	[bflag:$0x3] =	sbarrier.arrive $0xFFFF  }
0x85: {  	_ =	shalt  }

</sc_bundles>
